<compile_context>
chip_gen: v7x
topology: tpu7x:2x2x1
jax: 0.10.2.dev20260603
libtpu: 0.0.44.dev20260713+nightly
codegen_flags: <defaults>
</compile_context>

<pallas_src>
import functools

import jax
import jax.numpy as jnp
from jax import lax
from jax.experimental import pallas as pl
from jax.experimental.pallas import tpu as pltpu
from jax.experimental.pallas import tpu_sc as plsc

_BATCH = 16384
_EMB = 16
_OUT = 10
_NIG = 10
_NGG = 21
_TBLK = 32768
_TGRID = 4
_TROWS = _TGRID * _TBLK // 8
_SLOT = _TBLK // 8

_info = plsc.get_sparse_core_info()
_NC = _info.num_cores
_NS = _info.num_subcores
_NW = _NC * _NS
_BPW = _BATCH // _NW
_NBLK = _BPW // 16

_W0 = 0
_WIG = 256
_WGG = 512


def _repack_body(t_ref, w_ref, o_ref):
    x = t_ref[...].reshape(128, _SLOT)
    y = jnp.transpose(x)
    li = lax.broadcasted_iota(jnp.int32, (_SLOT, 128), 1)
    perm = (li % 16) * 8 + li // 16
    feats = jnp.take_along_axis(y, perm, axis=1)
    o_ref[...] = jnp.dot(jnp.maximum(feats, 0.0), w_ref[...],
                         preferred_element_type=jnp.float32)


def _repack(tT, wbd):
    return pl.pallas_call(
        _repack_body,
        grid=(_TGRID,),
        in_specs=[pl.BlockSpec((_EMB, _TBLK), lambda i: (0, i)),
                  pl.BlockSpec((128, 128), lambda i: (0, 0))],
        out_specs=pl.BlockSpec((_TBLK // 8, 128), lambda i: (i, 0)),
        out_shape=jax.ShapeDtypeStruct((_TROWS, 128), jnp.float32),
    )(tT, wbd)


_sc_mesh = plsc.VectorSubcoreMesh(core_axis_name="c", subcore_axis_name="s")


@functools.partial(
    pl.kernel,
    mesh=_sc_mesh,
    out_type=jax.ShapeDtypeStruct((_OUT, _BATCH), jnp.float32),
    scratch_types=[
        pltpu.VMEM((_BPW,), jnp.int32),
        pltpu.VMEM((_BPW,), jnp.int32),
        pltpu.VMEM((_BPW,), jnp.int32),
        pltpu.VMEM((_BPW,), jnp.int32),
        pltpu.VMEM((1024,), jnp.float32),
        pltpu.VMEM((_BPW, _EMB), jnp.float32),
        pltpu.VMEM((_OUT, _BPW), jnp.float32),
        pltpu.SemaphoreType.DMA,
    ],
    compiler_params=pltpu.CompilerParams(
        use_tc_tiling_on_sc=False, needs_layout_passes=False),
)
def _sc_tower(table_hbm, item_hbm, ig_hbm, gg_hbm, params_hbm, out_hbm,
              item_v, row_v, ig_v, gg_v, params_v, raw_v, out_v, sem):
    wid = lax.axis_index("s") * _NC + lax.axis_index("c")
    base = wid * _BPW
    pltpu.sync_copy(item_hbm.at[pl.ds(base, _BPW)], item_v)
    pltpu.sync_copy(ig_hbm.at[pl.ds(base, _BPW)], ig_v)
    pltpu.sync_copy(gg_hbm.at[pl.ds(base, _BPW)], gg_v)
    pltpu.sync_copy(params_hbm, params_v)

    def _rows(i, _):
        item16 = item_v[pl.ds(i * 16, 16)]
        r128 = (lax.shift_left(lax.shift_right_logical(item16, 15), 12)
                + (item16 & 4095))
        row_v[pl.ds(i * 16, 16)] = (
            lax.shift_left(r128, 3)
            + (lax.shift_right_logical(item16, 12) & 7))
        return ()

    lax.fori_loop(0, _BPW // 16, _rows, (), unroll=4)

    pltpu.async_copy(table_hbm.at[row_v], raw_v, sem).wait()

    lanes = lax.iota(jnp.int32, 16)

    def _block(b, _):
        rows16 = b * 16 + lanes
        ig16 = ig_v[pl.ds(b * 16, 16)]
        gg16 = gg_v[pl.ds(b * 16, 16)]
        for c in range(_OUT):
            emb_c = plsc.load_gather(raw_v, [rows16, jnp.full((16,), c, jnp.int32)])
            wib_c = plsc.load_gather(params_v, [_WIG + c * _NIG + ig16])
            wgg_c = plsc.load_gather(params_v, [_WGG + c * _NGG + gg16])
            out_v[c, pl.ds(b * 16, 16)] = (emb_c + wib_c) + wgg_c
        return ()

    lax.fori_loop(0, _NBLK, _block, (), unroll=2)

    pltpu.sync_copy(out_v, out_hbm.at[:, pl.ds(base, _BPW)])


@jax.jit
def kernel(item_indices, index_group_indices, garment_group_indices, emb_table, W, b):
    item = item_indices.astype(jnp.int32)
    ig = index_group_indices.astype(jnp.int32)
    gg = garment_group_indices.astype(jnp.int32)
    w0p = jnp.pad(W[:_EMB], ((0, 0), (0, 6)))
    wbd = jnp.kron(jnp.eye(8, dtype=jnp.float32), w0p)
    t16 = _repack(emb_table.T, wbd).reshape(-1, _EMB)
    wigb = (W[_EMB:_EMB + _NIG] + b[None, :]).T.reshape(-1)
    wggt = W[_EMB + _NIG:].T.reshape(-1)
    params = jnp.zeros((1024,), jnp.float32)
    params = lax.dynamic_update_slice(params, wigb, (_WIG,))
    params = lax.dynamic_update_slice(params, wggt, (_WGG,))
    out_t = _sc_tower(t16, item, ig, gg, params)
    return out_t.T

# --- scband reference (transcript-rebuilt; emitter-appended) ---
"""Pipeline reference for scband-item-tower-47991964565777 (READ-ONLY COPY).

The authoritative reference and input builder live on the scoring server;
editing this copy changes nothing except your own understanding.
"""

import jax, jax.numpy as jnp
import numpy as np

NUM_ITEMS = 100000
N_INDEX_GROUPS = 10
N_GARMENT_GROUPS = 21
EMB_DIM = 16
OUT_DIM = 10
BATCH = 16384


def setup_inputs(seed: int = 0) -> dict:
    key = jax.random.key(seed)
    k1, k2, k3, k4, k5, k6 = jax.random.split(key, 6)
    item_indices = jax.random.randint(k1, (BATCH,), 0, NUM_ITEMS)
    index_group_indices = jax.random.randint(k2, (BATCH,), 0, N_INDEX_GROUPS)
    garment_group_indices = jax.random.randint(k3, (BATCH,), 0, N_GARMENT_GROUPS)
    emb_table = jax.random.normal(k4, (NUM_ITEMS, EMB_DIM), dtype=jnp.float32)
    in_dim = EMB_DIM + N_INDEX_GROUPS + N_GARMENT_GROUPS
    W = jax.random.normal(k5, (in_dim, OUT_DIM), dtype=jnp.float32) * (1.0 / np.sqrt(in_dim))
    b = jax.random.normal(k6, (OUT_DIM,), dtype=jnp.float32) * 0.01
    return {
        "item_indices": item_indices,
        "index_group_indices": index_group_indices,
        "garment_group_indices": garment_group_indices,
        "emb_table": emb_table,
        "W": W,
        "b": b,
    }


def reference(item_indices, index_group_indices, garment_group_indices, emb_table, W, b):
    # nn.Embedding lookup -> gather
    item_features = jnp.take(emb_table, item_indices, axis=0)
    # F.one_hot for the two categorical fields
    index_group_features = jax.nn.one_hot(index_group_indices, N_INDEX_GROUPS, dtype=item_features.dtype)
    garment_group_features = jax.nn.one_hot(garment_group_indices, N_GARMENT_GROUPS, dtype=item_features.dtype)
    features = jnp.concatenate([item_features, index_group_features, garment_group_features], axis=1)
    features = jax.nn.relu(features)
    return features @ W + b

if __name__ == "__main__":
    import jax
    _d = setup_inputs()
    print(jax.jit(kernel)(*tuple(_d.values())))

</pallas_src>

<mosaic_0001>
#map = affine_map<(d0, d1) -> (0, 0)>
#map1 = affine_map<(d0, d1) -> (0)>
module attributes {stable_mosaic.version = 14 : i64} {
  func.func @_sc_tower(%arg0: i32, %arg1: i32, %arg2: memref<131072x16xf32, #tpu.memory_space<hbm>>, %arg3: memref<16384xi32, #tpu.memory_space<hbm>>, %arg4: memref<16384xi32, #tpu.memory_space<hbm>>, %arg5: memref<16384xi32, #tpu.memory_space<hbm>>, %arg6: memref<1024xf32, #tpu.memory_space<hbm>>, %arg7: memref<10x16384xf32, #tpu.memory_space<hbm>>, %arg8: memref<512xi32, #tpu.memory_space<vmem>>, %arg9: memref<512xi32, #tpu.memory_space<vmem>>, %arg10: memref<512xi32, #tpu.memory_space<vmem>>, %arg11: memref<512xi32, #tpu.memory_space<vmem>>, %arg12: memref<1024xf32, #tpu.memory_space<vmem>>, %arg13: memref<512x16xf32, #tpu.memory_space<vmem>>, %arg14: memref<10x512xf32, #tpu.memory_space<vmem>>, %arg15: memref<!tpu.dma_semaphore, #tpu.memory_space<semaphore_mem>>) attributes {dimension_semantics = [#tpu.dimension_semantics<core_parallel>, #tpu.dimension_semantics<subcore_parallel>], iteration_bounds = array<i64: 2, 16>, scalar_prefetch = 0 : i64, scratch_operands = 8 : i64, tpu.core_type = #tpu.core_type<sc_vector_subcore>, window_params = [{transform_indices = #map}, {transform_indices = #map1}, {transform_indices = #map1}, {transform_indices = #map1}, {transform_indices = #map1}, {transform_indices = #map}]} {
    %mul3A = arith.constant 2 : i32
    %mul3A_0 = arith.muli %arg1, %mul3A : i32
    %add3A = arith.addi %mul3A_0, %arg0 : i32
    %mul3A_1 = arith.constant 512 : i32
    %mul3A_2 = arith.muli %add3A, %mul3A_1 : i32
    "tpu.region"() ({
      %run_scoped3A = tpu.sem_alloc : memref<!tpu.dma_semaphore, #tpu.memory_space<semaphore_mem>>
      %dma_start3A_16 = tpu.memref_slice %arg3[%mul3A_2] : memref<16384xi32, #tpu.memory_space<hbm>> -> memref<512xi32, #tpu.memory_space<hbm>>
      %dma_start3A_17 = tpu.memref_slice %arg3[%mul3A_2] : memref<16384xi32, #tpu.memory_space<hbm>> -> memref<512xi32, #tpu.memory_space<hbm>>
      tpu.enqueue_dma source(%dma_start3A_17 : memref<512xi32, #tpu.memory_space<hbm>>) target(%arg8 : memref<512xi32, #tpu.memory_space<vmem>>) target_semaphore(%run_scoped3A : memref<!tpu.dma_semaphore, #tpu.memory_space<semaphore_mem>>)
      %dma_wait3A_18 = tpu.memref_slice %arg3[%mul3A_2] : memref<16384xi32, #tpu.memory_space<hbm>> -> memref<512xi32, #tpu.memory_space<hbm>>
      %dma_wait3A_19 = tpu.memref_slice %arg3[%mul3A_2] : memref<16384xi32, #tpu.memory_space<hbm>> -> memref<512xi32, #tpu.memory_space<hbm>>
      tpu.wait_dma2 semaphore(%run_scoped3A : memref<!tpu.dma_semaphore, #tpu.memory_space<semaphore_mem>>) src(%dma_wait3A_19 : memref<512xi32, #tpu.memory_space<hbm>>) dst(%arg8 : memref<512xi32, #tpu.memory_space<vmem>>)
      tpu.yield
    }) : () -> ()
    "tpu.region"() ({
      %run_scoped3A = tpu.sem_alloc : memref<!tpu.dma_semaphore, #tpu.memory_space<semaphore_mem>>
      %dma_start3A_16 = tpu.memref_slice %arg4[%mul3A_2] : memref<16384xi32, #tpu.memory_space<hbm>> -> memref<512xi32, #tpu.memory_space<hbm>>
      %dma_start3A_17 = tpu.memref_slice %arg4[%mul3A_2] : memref<16384xi32, #tpu.memory_space<hbm>> -> memref<512xi32, #tpu.memory_space<hbm>>
      tpu.enqueue_dma source(%dma_start3A_17 : memref<512xi32, #tpu.memory_space<hbm>>) target(%arg10 : memref<512xi32, #tpu.memory_space<vmem>>) target_semaphore(%run_scoped3A : memref<!tpu.dma_semaphore, #tpu.memory_space<semaphore_mem>>)
      %dma_wait3A_18 = tpu.memref_slice %arg4[%mul3A_2] : memref<16384xi32, #tpu.memory_space<hbm>> -> memref<512xi32, #tpu.memory_space<hbm>>
      %dma_wait3A_19 = tpu.memref_slice %arg4[%mul3A_2] : memref<16384xi32, #tpu.memory_space<hbm>> -> memref<512xi32, #tpu.memory_space<hbm>>
      tpu.wait_dma2 semaphore(%run_scoped3A : memref<!tpu.dma_semaphore, #tpu.memory_space<semaphore_mem>>) src(%dma_wait3A_19 : memref<512xi32, #tpu.memory_space<hbm>>) dst(%arg10 : memref<512xi32, #tpu.memory_space<vmem>>)
      tpu.yield
    }) : () -> ()
    "tpu.region"() ({
      %run_scoped3A = tpu.sem_alloc : memref<!tpu.dma_semaphore, #tpu.memory_space<semaphore_mem>>
      %dma_start3A_16 = tpu.memref_slice %arg5[%mul3A_2] : memref<16384xi32, #tpu.memory_space<hbm>> -> memref<512xi32, #tpu.memory_space<hbm>>
      %dma_start3A_17 = tpu.memref_slice %arg5[%mul3A_2] : memref<16384xi32, #tpu.memory_space<hbm>> -> memref<512xi32, #tpu.memory_space<hbm>>
      tpu.enqueue_dma source(%dma_start3A_17 : memref<512xi32, #tpu.memory_space<hbm>>) target(%arg11 : memref<512xi32, #tpu.memory_space<vmem>>) target_semaphore(%run_scoped3A : memref<!tpu.dma_semaphore, #tpu.memory_space<semaphore_mem>>)
      %dma_wait3A_18 = tpu.memref_slice %arg5[%mul3A_2] : memref<16384xi32, #tpu.memory_space<hbm>> -> memref<512xi32, #tpu.memory_space<hbm>>
      %dma_wait3A_19 = tpu.memref_slice %arg5[%mul3A_2] : memref<16384xi32, #tpu.memory_space<hbm>> -> memref<512xi32, #tpu.memory_space<hbm>>
      tpu.wait_dma2 semaphore(%run_scoped3A : memref<!tpu.dma_semaphore, #tpu.memory_space<semaphore_mem>>) src(%dma_wait3A_19 : memref<512xi32, #tpu.memory_space<hbm>>) dst(%arg11 : memref<512xi32, #tpu.memory_space<vmem>>)
      tpu.yield
    }) : () -> ()
    "tpu.region"() ({
      %run_scoped3A = tpu.sem_alloc : memref<!tpu.dma_semaphore, #tpu.memory_space<semaphore_mem>>
      tpu.enqueue_dma source(%arg6 : memref<1024xf32, #tpu.memory_space<hbm>>) target(%arg12 : memref<1024xf32, #tpu.memory_space<vmem>>) target_semaphore(%run_scoped3A : memref<!tpu.dma_semaphore, #tpu.memory_space<semaphore_mem>>)
      tpu.wait_dma2 semaphore(%run_scoped3A : memref<!tpu.dma_semaphore, #tpu.memory_space<semaphore_mem>>) src(%arg6 : memref<1024xf32, #tpu.memory_space<hbm>>) dst(%arg12 : memref<1024xf32, #tpu.memory_space<vmem>>)
      tpu.yield
    }) : () -> ()
    %scan3A = arith.constant 0 : i32
    %scan3A_3 = arith.constant 32 : i32
    %scan3A_4 = arith.addi %scan3A, %scan3A_3 : i32
    %scan3A_5 = arith.constant 4 : i32
    scf.for %scan3A_16 = %scan3A to %scan3A_4 step %scan3A_5  : i32 {
      %mul3A_17 = arith.constant 16 : i32
      %mul3A_18 = arith.muli %scan3A_16, %mul3A_17 : i32
      %get3A = arith.index_cast %mul3A_18 : i32 to index
      %get3A_19 = tpu.vector_load %arg8[%get3A] {strides = array<i32>} : memref<512xi32, #tpu.memory_space<vmem>>, vector<16xi32>,
      %shift_right_logical3A = arith.constant 15 : i32
      %shift_right_logical3A_20 = vector.broadcast %shift_right_logical3A : i32 to vector<16xi32>
      %shift_right_logical3A_21 = arith.shrui %get3A_19, %shift_right_logical3A_20 : vector<16xi32>
      %shift_left3A = arith.constant 12 : i32
      %shift_left3A_22 = vector.broadcast %shift_left3A : i32 to vector<16xi32>
      %shift_left3A_23 = arith.shli %shift_right_logical3A_21, %shift_left3A_22 : vector<16xi32>
      %and3A = arith.constant 4095 : i32
      %and3A_24 = vector.broadcast %and3A : i32 to vector<16xi32>
      %and3A_25 = arith.andi %get3A_19, %and3A_24 : vector<16xi32>
      %add3A_26 = arith.addi %shift_left3A_23, %and3A_25 : vector<16xi32>
      %shift_left3A_27 = arith.constant 3 : i32
      %shift_left3A_28 = vector.broadcast %shift_left3A_27 : i32 to vector<16xi32>
      %shift_left3A_29 = arith.shli %add3A_26, %shift_left3A_28 : vector<16xi32>
      %shift_right_logical3A_30 = arith.constant 12 : i32
      %shift_right_logical3A_31 = vector.broadcast %shift_right_logical3A_30 : i32 to vector<16xi32>
      %shift_right_logical3A_32 = arith.shrui %get3A_19, %shift_right_logical3A_31 : vector<16xi32>
      %and3A_33 = arith.constant 7 : i32
      %and3A_34 = vector.broadcast %and3A_33 : i32 to vector<16xi32>
      %and3A_35 = arith.andi %shift_right_logical3A_32, %and3A_34 : vector<16xi32>
      %add3A_36 = arith.addi %shift_left3A_29, %and3A_35 : vector<16xi32>
      %mul3A_37 = arith.constant 16 : i32
      %mul3A_38 = arith.muli %scan3A_16, %mul3A_37 : i32
      %swap3A = arith.index_cast %mul3A_38 : i32 to index
      %swap3A_39 = tpu.vector_load %arg9[%swap3A] {strides = array<i32>} : memref<512xi32, #tpu.memory_space<vmem>>, vector<16xi32>,
      tpu.vector_store %arg9[%swap3A], %add3A_36 {strides = array<i32>} : memref<512xi32, #tpu.memory_space<vmem>>, vector<16xi32>,
      %scan3A_40 = arith.constant 1 : i32
      %scan3A_41 = arith.addi %scan3A_16, %scan3A_40 : i32
      %mul3A_42 = arith.constant 16 : i32
      %mul3A_43 = arith.muli %scan3A_41, %mul3A_42 : i32
      %get3A_44 = arith.index_cast %mul3A_43 : i32 to index
      %get3A_45 = tpu.vector_load %arg8[%get3A_44] {strides = array<i32>} : memref<512xi32, #tpu.memory_space<vmem>>, vector<16xi32>,
      %shift_right_logical3A_46 = arith.constant 15 : i32
      %shift_right_logical3A_47 = vector.broadcast %shift_right_logical3A_46 : i32 to vector<16xi32>
      %shift_right_logical3A_48 = arith.shrui %get3A_45, %shift_right_logical3A_47 : vector<16xi32>
      %shift_left3A_49 = arith.constant 12 : i32
      %shift_left3A_50 = vector.broadcast %shift_left3A_49 : i32 to vector<16xi32>
      %shift_left3A_51 = arith.shli %shift_right_logical3A_48, %shift_left3A_50 : vector<16xi32>
      %and3A_52 = arith.constant 4095 : i32
      %and3A_53 = vector.broadcast %and3A_52 : i32 to vector<16xi32>
      %and3A_54 = arith.andi %get3A_45, %and3A_53 : vector<16xi32>
      %add3A_55 = arith.addi %shift_left3A_51, %and3A_54 : vector<16xi32>
      %shift_left3A_56 = arith.constant 3 : i32
      %shift_left3A_57 = vector.broadcast %shift_left3A_56 : i32 to vector<16xi32>
      %shift_left3A_58 = arith.shli %add3A_55, %shift_left3A_57 : vector<16xi32>
      %shift_right_logical3A_59 = arith.constant 12 : i32
      %shift_right_logical3A_60 = vector.broadcast %shift_right_logical3A_59 : i32 to vector<16xi32>
      %shift_right_logical3A_61 = arith.shrui %get3A_45, %shift_right_logical3A_60 : vector<16xi32>
      %and3A_62 = arith.constant 7 : i32
      %and3A_63 = vector.broadcast %and3A_62 : i32 to vector<16xi32>
      %and3A_64 = arith.andi %shift_right_logical3A_61, %and3A_63 : vector<16xi32>
      %add3A_65 = arith.addi %shift_left3A_58, %and3A_64 : vector<16xi32>
      %mul3A_66 = arith.constant 16 : i32
      %mul3A_67 = arith.muli %scan3A_41, %mul3A_66 : i32
      %swap3A_68 = arith.index_cast %mul3A_67 : i32 to index
      %swap3A_69 = tpu.vector_load %arg9[%swap3A_68] {strides = array<i32>} : memref<512xi32, #tpu.memory_space<vmem>>, vector<16xi32>,
      tpu.vector_store %arg9[%swap3A_68], %add3A_65 {strides = array<i32>} : memref<512xi32, #tpu.memory_space<vmem>>, vector<16xi32>,
      %scan3A_70 = arith.constant 2 : i32
      %scan3A_71 = arith.addi %scan3A_16, %scan3A_70 : i32
      %mul3A_72 = arith.constant 16 : i32
      %mul3A_73 = arith.muli %scan3A_71, %mul3A_72 : i32
      %get3A_74 = arith.index_cast %mul3A_73 : i32 to index
      %get3A_75 = tpu.vector_load %arg8[%get3A_74] {strides = array<i32>} : memref<512xi32, #tpu.memory_space<vmem>>, vector<16xi32>,
      %shift_right_logical3A_76 = arith.constant 15 : i32
      %shift_right_logical3A_77 = vector.broadcast %shift_right_logical3A_76 : i32 to vector<16xi32>
      %shift_right_logical3A_78 = arith.shrui %get3A_75, %shift_right_logical3A_77 : vector<16xi32>
      %shift_left3A_79 = arith.constant 12 : i32
      %shift_left3A_80 = vector.broadcast %shift_left3A_79 : i32 to vector<16xi32>
      %shift_left3A_81 = arith.shli %shift_right_logical3A_78, %shift_left3A_80 : vector<16xi32>
      %and3A_82 = arith.constant 4095 : i32
      %and3A_83 = vector.broadcast %and3A_82 : i32 to vector<16xi32>
      %and3A_84 = arith.andi %get3A_75, %and3A_83 : vector<16xi32>
      %add3A_85 = arith.addi %shift_left3A_81, %and3A_84 : vector<16xi32>
      %shift_left3A_86 = arith.constant 3 : i32
      %shift_left3A_87 = vector.broadcast %shift_left3A_86 : i32 to vector<16xi32>
      %shift_left3A_88 = arith.shli %add3A_85, %shift_left3A_87 : vector<16xi32>
      %shift_right_logical3A_89 = arith.constant 12 : i32
      %shift_right_logical3A_90 = vector.broadcast %shift_right_logical3A_89 : i32 to vector<16xi32>
      %shift_right_logical3A_91 = arith.shrui %get3A_75, %shift_right_logical3A_90 : vector<16xi32>
      %and3A_92 = arith.constant 7 : i32
      %and3A_93 = vector.broadcast %and3A_92 : i32 to vector<16xi32>
      %and3A_94 = arith.andi %shift_right_logical3A_91, %and3A_93 : vector<16xi32>
      %add3A_95 = arith.addi %shift_left3A_88, %and3A_94 : vector<16xi32>
      %mul3A_96 = arith.constant 16 : i32
      %mul3A_97 = arith.muli %scan3A_71, %mul3A_96 : i32
      %swap3A_98 = arith.index_cast %mul3A_97 : i32 to index
      %swap3A_99 = tpu.vector_load %arg9[%swap3A_98] {strides = array<i32>} : memref<512xi32, #tpu.memory_space<vmem>>, vector<16xi32>,
      tpu.vector_store %arg9[%swap3A_98], %add3A_95 {strides = array<i32>} : memref<512xi32, #tpu.memory_space<vmem>>, vector<16xi32>,
      %scan3A_100 = arith.constant 3 : i32
      %scan3A_101 = arith.addi %scan3A_16, %scan3A_100 : i32
      %mul3A_102 = arith.constant 16 : i32
      %mul3A_103 = arith.muli %scan3A_101, %mul3A_102 : i32
      %get3A_104 = arith.index_cast %mul3A_103 : i32 to index
      %get3A_105 = tpu.vector_load %arg8[%get3A_104] {strides = array<i32>} : memref<512xi32, #tpu.memory_space<vmem>>, vector<16xi32>,
      %shift_right_logical3A_106 = arith.constant 15 : i32
      %shift_right_logical3A_107 = vector.broadcast %shift_right_logical3A_106 : i32 to vector<16xi32>
      %shift_right_logical3A_108 = arith.shrui %get3A_105, %shift_right_logical3A_107 : vector<16xi32>
      %shift_left3A_109 = arith.constant 12 : i32
      %shift_left3A_110 = vector.broadcast %shift_left3A_109 : i32 to vector<16xi32>
      %shift_left3A_111 = arith.shli %shift_right_logical3A_108, %shift_left3A_110 : vector<16xi32>
      %and3A_112 = arith.constant 4095 : i32
      %and3A_113 = vector.broadcast %and3A_112 : i32 to vector<16xi32>
      %and3A_114 = arith.andi %get3A_105, %and3A_113 : vector<16xi32>
      %add3A_115 = arith.addi %shift_left3A_111, %and3A_114 : vector<16xi32>
      %shift_left3A_116 = arith.constant 3 : i32
      %shift_left3A_117 = vector.broadcast %shift_left3A_116 : i32 to vector<16xi32>
      %shift_left3A_118 = arith.shli %add3A_115, %shift_left3A_117 : vector<16xi32>
      %shift_right_logical3A_119 = arith.constant 12 : i32
      %shift_right_logical3A_120 = vector.broadcast %shift_right_logical3A_119 : i32 to vector<16xi32>
      %shift_right_logical3A_121 = arith.shrui %get3A_105, %shift_right_logical3A_120 : vector<16xi32>
      %and3A_122 = arith.constant 7 : i32
      %and3A_123 = vector.broadcast %and3A_122 : i32 to vector<16xi32>
      %and3A_124 = arith.andi %shift_right_logical3A_121, %and3A_123 : vector<16xi32>
      %add3A_125 = arith.addi %shift_left3A_118, %and3A_124 : vector<16xi32>
      %mul3A_126 = arith.constant 16 : i32
      %mul3A_127 = arith.muli %scan3A_101, %mul3A_126 : i32
      %swap3A_128 = arith.index_cast %mul3A_127 : i32 to index
      %swap3A_129 = tpu.vector_load %arg9[%swap3A_128] {strides = array<i32>} : memref<512xi32, #tpu.memory_space<vmem>>, vector<16xi32>,
      tpu.vector_store %arg9[%swap3A_128], %add3A_125 {strides = array<i32>} : memref<512xi32, #tpu.memory_space<vmem>>, vector<16xi32>,
    }
    %scan3A_6 = arith.constant 32 : i32
    %dma_start3A = arith.constant 0 : i32
    %dma_start3A_7 = arith.constant 0 : i32
    %dma_start3A_8 = tpu.memref_slice %arg2[%dma_start3A, %dma_start3A_7] : memref<131072x16xf32, #tpu.memory_space<hbm>> -> memref<131072x16xf32, #tpu.memory_space<hbm>>
    tpu.enqueue_indirect_dma source(%dma_start3A_8 : memref<131072x16xf32, #tpu.memory_space<hbm>>) target(%arg13 : memref<512x16xf32, #tpu.memory_space<vmem>>) offsets(%arg9 : memref<512xi32, #tpu.memory_space<vmem>>) semaphore(%arg15 : memref<!tpu.dma_semaphore, #tpu.memory_space<semaphore_mem>>)
    %dma_wait3A = arith.constant 0 : i32
    %dma_wait3A_9 = arith.constant 0 : i32
    %dma_wait3A_10 = tpu.memref_slice %arg2[%dma_wait3A, %dma_wait3A_9] : memref<131072x16xf32, #tpu.memory_space<hbm>> -> memref<131072x16xf32, #tpu.memory_space<hbm>>
    tpu.wait_indirect_dma semaphore(%arg15 : memref<!tpu.dma_semaphore, #tpu.memory_space<semaphore_mem>>) src(%dma_wait3A_10 : memref<131072x16xf32, #tpu.memory_space<hbm>>) dst(%arg13 : memref<512x16xf32, #tpu.memory_space<vmem>>)
    %iota3A = tpu.iota {dimensions = array<i32: 0>} : vector<16xi32>
    %scan3A_11 = arith.constant 0 : i32
    %scan3A_12 = arith.constant 32 : i32
    %scan3A_13 = arith.addi %scan3A_11, %scan3A_12 : i32
    %scan3A_14 = arith.constant 2 : i32
    scf.for %scan3A_16 = %scan3A_11 to %scan3A_13 step %scan3A_14  : i32 {
      %mul3A_17 = arith.constant 16 : i32
      %mul3A_18 = arith.muli %scan3A_16, %mul3A_17 : i32
      %add3A_19 = vector.broadcast %mul3A_18 : i32 to vector<16xi32>
      %add3A_20 = arith.addi %add3A_19, %iota3A : vector<16xi32>
      %mul3A_21 = arith.constant 16 : i32
      %mul3A_22 = arith.muli %scan3A_16, %mul3A_21 : i32
      %get3A = arith.index_cast %mul3A_22 : i32 to index
      %get3A_23 = tpu.vector_load %arg10[%get3A] {strides = array<i32>} : memref<512xi32, #tpu.memory_space<vmem>>, vector<16xi32>,
      %mul3A_24 = arith.constant 16 : i32
      %mul3A_25 = arith.muli %scan3A_16, %mul3A_24 : i32
      %get3A_26 = arith.index_cast %mul3A_25 : i32 to index
      %get3A_27 = tpu.vector_load %arg11[%get3A_26] {strides = array<i32>} : memref<512xi32, #tpu.memory_space<vmem>>, vector<16xi32>,
      %broadcast_in_dim3A = arith.constant 0 : i32
      %broadcast_in_dim3A_28 = vector.broadcast %broadcast_in_dim3A : i32 to vector<16xi32>
      %gather3A = tpu.vector_load_idx %arg13[%add3A_20, %broadcast_in_dim3A_28] : memref<512x16xf32, #tpu.memory_space<vmem>>[vector<16xi32>, vector<16xi32>], vector<16xf32>,
      %add3A_29 = arith.constant 256 : i32
      %add3A_30 = vector.broadcast %add3A_29 : i32 to vector<16xi32>
      %add3A_31 = arith.addi %add3A_30, %get3A_23 : vector<16xi32>
      %gather3A_32 = tpu.vector_load_idx %arg12[%add3A_31] : memref<1024xf32, #tpu.memory_space<vmem>>[vector<16xi32>], vector<16xf32>,
      %add3A_33 = arith.constant 512 : i32
      %add3A_34 = vector.broadcast %add3A_33 : i32 to vector<16xi32>
      %add3A_35 = arith.addi %add3A_34, %get3A_27 : vector<16xi32>
      %gather3A_36 = tpu.vector_load_idx %arg12[%add3A_35] : memref<1024xf32, #tpu.memory_space<vmem>>[vector<16xi32>], vector<16xf32>,
      %add3A_37 = arith.addf %gather3A, %gather3A_32 : vector<16xf32>
      %add3A_38 = arith.addf %add3A_37, %gather3A_36 : vector<16xf32>
      %mul3A_39 = arith.constant 16 : i32
      %mul3A_40 = arith.muli %scan3A_16, %mul3A_39 : i32
      %swap3A = arith.constant 0 : i32
      %swap3A_41 = arith.index_cast %swap3A : i32 to index
      %swap3A_42 = arith.index_cast %mul3A_40 : i32 to index
      %swap3A_43 = tpu.vector_load %arg14[%swap3A_41, %swap3A_42] {strides = array<i32>} : memref<10x512xf32, #tpu.memory_space<vmem>>, vector<16xf32>,
      tpu.vector_store %arg14[%swap3A_41, %swap3A_42], %add3A_38 {strides = array<i32>} : memref<10x512xf32, #tpu.memory_space<vmem>>, vector<16xf32>,
      %broadcast_in_dim3A_44 = arith.constant 1 : i32
      %broadcast_in_dim3A_45 = vector.broadcast %broadcast_in_dim3A_44 : i32 to vector<16xi32>
      %gather3A_46 = tpu.vector_load_idx %arg13[%add3A_20, %broadcast_in_dim3A_45] : memref<512x16xf32, #tpu.memory_space<vmem>>[vector<16xi32>, vector<16xi32>], vector<16xf32>,
      %add3A_47 = arith.constant 266 : i32
      %add3A_48 = vector.broadcast %add3A_47 : i32 to vector<16xi32>
      %add3A_49 = arith.addi %add3A_48, %get3A_23 : vector<16xi32>
      %gather3A_50 = tpu.vector_load_idx %arg12[%add3A_49] : memref<1024xf32, #tpu.memory_space<vmem>>[vector<16xi32>], vector<16xf32>,
      %add3A_51 = arith.constant 533 : i32
      %add3A_52 = vector.broadcast %add3A_51 : i32 to vector<16xi32>
      %add3A_53 = arith.addi %add3A_52, %get3A_27 : vector<16xi32>
      %gather3A_54 = tpu.vector_load_idx %arg12[%add3A_53] : memref<1024xf32, #tpu.memory_space<vmem>>[vector<16xi32>], vector<16xf32>,
      %add3A_55 = arith.addf %gather3A_46, %gather3A_50 : vector<16xf32>
      %add3A_56 = arith.addf %add3A_55, %gather3A_54 : vector<16xf32>
      %mul3A_57 = arith.constant 16 : i32
      %mul3A_58 = arith.muli %scan3A_16, %mul3A_57 : i32
      %swap3A_59 = arith.constant 1 : i32
      %swap3A_60 = arith.index_cast %swap3A_59 : i32 to index
      %swap3A_61 = arith.index_cast %mul3A_58 : i32 to index
      %swap3A_62 = tpu.vector_load %arg14[%swap3A_60, %swap3A_61] {strides = array<i32>} : memref<10x512xf32, #tpu.memory_space<vmem>>, vector<16xf32>,
      tpu.vector_store %arg14[%swap3A_60, %swap3A_61], %add3A_56 {strides = array<i32>} : memref<10x512xf32, #tpu.memory_space<vmem>>, vector<16xf32>,
      %broadcast_in_dim3A_63 = arith.constant 2 : i32
      %broadcast_in_dim3A_64 = vector.broadcast %broadcast_in_dim3A_63 : i32 to vector<16xi32>
      %gather3A_65 = tpu.vector_load_idx %arg13[%add3A_20, %broadcast_in_dim3A_64] : memref<512x16xf32, #tpu.memory_space<vmem>>[vector<16xi32>, vector<16xi32>], vector<16xf32>,
      %add3A_66 = arith.constant 276 : i32
      %add3A_67 = vector.broadcast %add3A_66 : i32 to vector<16xi32>
      %add3A_68 = arith.addi %add3A_67, %get3A_23 : vector<16xi32>
      %gather3A_69 = tpu.vector_load_idx %arg12[%add3A_68] : memref<1024xf32, #tpu.memory_space<vmem>>[vector<16xi32>], vector<16xf32>,
      %add3A_70 = arith.constant 554 : i32
      %add3A_71 = vector.broadcast %add3A_70 : i32 to vector<16xi32>
      %add3A_72 = arith.addi %add3A_71, %get3A_27 : vector<16xi32>
      %gather3A_73 = tpu.vector_load_idx %arg12[%add3A_72] : memref<1024xf32, #tpu.memory_space<vmem>>[vector<16xi32>], vector<16xf32>,
      %add3A_74 = arith.addf %gather3A_65, %gather3A_69 : vector<16xf32>
      %add3A_75 = arith.addf %add3A_74, %gather3A_73 : vector<16xf32>
      %mul3A_76 = arith.constant 16 : i32
      %mul3A_77 = arith.muli %scan3A_16, %mul3A_76 : i32
      %swap3A_78 = arith.constant 2 : i32
      %swap3A_79 = arith.index_cast %swap3A_78 : i32 to index
      %swap3A_80 = arith.index_cast %mul3A_77 : i32 to index
      %swap3A_81 = tpu.vector_load %arg14[%swap3A_79, %swap3A_80] {strides = array<i32>} : memref<10x512xf32, #tpu.memory_space<vmem>>, vector<16xf32>,
      tpu.vector_store %arg14[%swap3A_79, %swap3A_80], %add3A_75 {strides = array<i32>} : memref<10x512xf32, #tpu.memory_space<vmem>>, vector<16xf32>,
      %broadcast_in_dim3A_82 = arith.constant 3 : i32
      %broadcast_in_dim3A_83 = vector.broadcast %broadcast_in_dim3A_82 : i32 to vector<16xi32>
      %gather3A_84 = tpu.vector_load_idx %arg13[%add3A_20, %broadcast_in_dim3A_83] : memref<512x16xf32, #tpu.memory_space<vmem>>[vector<16xi32>, vector<16xi32>], vector<16xf32>,
      %add3A_85 = arith.constant 286 : i32
      %add3A_86 = vector.broadcast %add3A_85 : i32 to vector<16xi32>
      %add3A_87 = arith.addi %add3A_86, %get3A_23 : vector<16xi32>
      %gather3A_88 = tpu.vector_load_idx %arg12[%add3A_87] : memref<1024xf32, #tpu.memory_space<vmem>>[vector<16xi32>], vector<16xf32>,
      %add3A_89 = arith.constant 575 : i32
      %add3A_90 = vector.broadcast %add3A_89 : i32 to vector<16xi32>
      %add3A_91 = arith.addi %add3A_90, %get3A_27 : vector<16xi32>
      %gather3A_92 = tpu.vector_load_idx %arg12[%add3A_91] : memref<1024xf32, #tpu.memory_space<vmem>>[vector<16xi32>], vector<16xf32>,
      %add3A_93 = arith.addf %gather3A_84, %gather3A_88 : vector<16xf32>
      %add3A_94 = arith.addf %add3A_93, %gather3A_92 : vector<16xf32>
      %mul3A_95 = arith.constant 16 : i32
      %mul3A_96 = arith.muli %scan3A_16, %mul3A_95 : i32
      %swap3A_97 = arith.constant 3 : i32
      %swap3A_98 = arith.index_cast %swap3A_97 : i32 to index
      %swap3A_99 = arith.index_cast %mul3A_96 : i32 to index
      %swap3A_100 = tpu.vector_load %arg14[%swap3A_98, %swap3A_99] {strides = array<i32>} : memref<10x512xf32, #tpu.memory_space<vmem>>, vector<16xf32>,
      tpu.vector_store %arg14[%swap3A_98, %swap3A_99], %add3A_94 {strides = array<i32>} : memref<10x512xf32, #tpu.memory_space<vmem>>, vector<16xf32>,
      %broadcast_in_dim3A_101 = arith.constant 4 : i32
      %broadcast_in_dim3A_102 = vector.broadcast %broadcast_in_dim3A_101 : i32 to vector<16xi32>
      %gather3A_103 = tpu.vector_load_idx %arg13[%add3A_20, %broadcast_in_dim3A_102] : memref<512x16xf32, #tpu.memory_space<vmem>>[vector<16xi32>, vector<16xi32>], vector<16xf32>,
      %add3A_104 = arith.constant 296 : i32
      %add3A_105 = vector.broadcast %add3A_104 : i32 to vector<16xi32>
      %add3A_106 = arith.addi %add3A_105, %get3A_23 : vector<16xi32>
      %gather3A_107 = tpu.vector_load_idx %arg12[%add3A_106] : memref<1024xf32, #tpu.memory_space<vmem>>[vector<16xi32>], vector<16xf32>,
      %add3A_108 = arith.constant 596 : i32
      %add3A_109 = vector.broadcast %add3A_108 : i32 to vector<16xi32>
      %add3A_110 = arith.addi %add3A_109, %get3A_27 : vector<16xi32>
      %gather3A_111 = tpu.vector_load_idx %arg12[%add3A_110] : memref<1024xf32, #tpu.memory_space<vmem>>[vector<16xi32>], vector<16xf32>,
      %add3A_112 = arith.addf %gather3A_103, %gather3A_107 : vector<16xf32>
      %add3A_113 = arith.addf %add3A_112, %gather3A_111 : vector<16xf32>
      %mul3A_114 = arith.constant 16 : i32
      %mul3A_115 = arith.muli %scan3A_16, %mul3A_114 : i32
      %swap3A_116 = arith.constant 4 : i32
      %swap3A_117 = arith.index_cast %swap3A_116 : i32 to index
      %swap3A_118 = arith.index_cast %mul3A_115 : i32 to index
      %swap3A_119 = tpu.vector_load %arg14[%swap3A_117, %swap3A_118] {strides = array<i32>} : memref<10x512xf32, #tpu.memory_space<vmem>>, vector<16xf32>,
      tpu.vector_store %arg14[%swap3A_117, %swap3A_118], %add3A_113 {strides = array<i32>} : memref<10x512xf32, #tpu.memory_space<vmem>>, vector<16xf32>,
      %broadcast_in_dim3A_120 = arith.constant 5 : i32
      %broadcast_in_dim3A_121 = vector.broadcast %broadcast_in_dim3A_120 : i32 to vector<16xi32>
      %gather3A_122 = tpu.vector_load_idx %arg13[%add3A_20, %broadcast_in_dim3A_121] : memref<512x16xf32, #tpu.memory_space<vmem>>[vector<16xi32>, vector<16xi32>], vector<16xf32>,
      %add3A_123 = arith.constant 306 : i32
      %add3A_124 = vector.broadcast %add3A_123 : i32 to vector<16xi32>
      %add3A_125 = arith.addi %add3A_124, %get3A_23 : vector<16xi32>
      %gather3A_126 = tpu.vector_load_idx %arg12[%add3A_125] : memref<1024xf32, #tpu.memory_space<vmem>>[vector<16xi32>], vector<16xf32>,
      %add3A_127 = arith.constant 617 : i32
      %add3A_128 = vector.broadcast %add3A_127 : i32 to vector<16xi32>
      %add3A_129 = arith.addi %add3A_128, %get3A_27 : vector<16xi32>
      %gather3A_130 = tpu.vector_load_idx %arg12[%add3A_129] : memref<1024xf32, #tpu.memory_space<vmem>>[vector<16xi32>], vector<16xf32>,
      %add3A_131 = arith.addf %gather3A_122, %gather3A_126 : vector<16xf32>
      %add3A_132 = arith.addf %add3A_131, %gather3A_130 : vector<16xf32>
      %mul3A_133 = arith.constant 16 : i32
      %mul3A_134 = arith.muli %scan3A_16, %mul3A_133 : i32
      %swap3A_135 = arith.constant 5 : i32
      %swap3A_136 = arith.index_cast %swap3A_135 : i32 to index
      %swap3A_137 = arith.index_cast %mul3A_134 : i32 to index
      %swap3A_138 = tpu.vector_load %arg14[%swap3A_136, %swap3A_137] {strides = array<i32>} : memref<10x512xf32, #tpu.memory_space<vmem>>, vector<16xf32>,
      tpu.vector_store %arg14[%swap3A_136, %swap3A_137], %add3A_132 {strides = array<i32>} : memref<10x512xf32, #tpu.memory_space<vmem>>, vector<16xf32>,
      %broadcast_in_dim3A_139 = arith.constant 6 : i32
      %broadcast_in_dim3A_140 = vector.broadcast %broadcast_in_dim3A_139 : i32 to vector<16xi32>
      %gather3A_141 = tpu.vector_load_idx %arg13[%add3A_20, %broadcast_in_dim3A_140] : memref<512x16xf32, #tpu.memory_space<vmem>>[vector<16xi32>, vector<16xi32>], vector<16xf32>,
      %add3A_142 = arith.constant 316 : i32
      %add3A_143 = vector.broadcast %add3A_142 : i32 to vector<16xi32>
      %add3A_144 = arith.addi %add3A_143, %get3A_23 : vector<16xi32>
      %gather3A_145 = tpu.vector_load_idx %arg12[%add3A_144] : memref<1024xf32, #tpu.memory_space<vmem>>[vector<16xi32>], vector<16xf32>,
      %add3A_146 = arith.constant 638 : i32
      %add3A_147 = vector.broadcast %add3A_146 : i32 to vector<16xi32>
      %add3A_148 = arith.addi %add3A_147, %get3A_27 : vector<16xi32>
      %gather3A_149 = tpu.vector_load_idx %arg12[%add3A_148] : memref<1024xf32, #tpu.memory_space<vmem>>[vector<16xi32>], vector<16xf32>,
      %add3A_150 = arith.addf %gather3A_141, %gather3A_145 : vector<16xf32>
      %add3A_151 = arith.addf %add3A_150, %gather3A_149 : vector<16xf32>
      %mul3A_152 = arith.constant 16 : i32
      %mul3A_153 = arith.muli %scan3A_16, %mul3A_152 : i32
      %swap3A_154 = arith.constant 6 : i32
      %swap3A_155 = arith.index_cast %swap3A_154 : i32 to index
      %swap3A_156 = arith.index_cast %mul3A_153 : i32 to index
      %swap3A_157 = tpu.vector_load %arg14[%swap3A_155, %swap3A_156] {strides = array<i32>} : memref<10x512xf32, #tpu.memory_space<vmem>>, vector<16xf32>,
      tpu.vector_store %arg14[%swap3A_155, %swap3A_156], %add3A_151 {strides = array<i32>} : memref<10x512xf32, #tpu.memory_space<vmem>>, vector<16xf32>,
      %broadcast_in_dim3A_158 = arith.constant 7 : i32
      %broadcast_in_dim3A_159 = vector.broadcast %broadcast_in_dim3A_158 : i32 to vector<16xi32>
      %gather3A_160 = tpu.vector_load_idx %arg13[%add3A_20, %broadcast_in_dim3A_159] : memref<512x16xf32, #tpu.memory_space<vmem>>[vector<16xi32>, vector<16xi32>], vector<16xf32>,
      %add3A_161 = arith.constant 326 : i32
      %add3A_162 = vector.broadcast %add3A_161 : i32 to vector<16xi32>
      %add3A_163 = arith.addi %add3A_162, %get3A_23 : vector<16xi32>
      %gather3A_164 = tpu.vector_load_idx %arg12[%add3A_163] : memref<1024xf32, #tpu.memory_space<vmem>>[vector<16xi32>], vector<16xf32>,
      %add3A_165 = arith.constant 659 : i32
      %add3A_166 = vector.broadcast %add3A_165 : i32 to vector<16xi32>
      %add3A_167 = arith.addi %add3A_166, %get3A_27 : vector<16xi32>
      %gather3A_168 = tpu.vector_load_idx %arg12[%add3A_167] : memref<1024xf32, #tpu.memory_space<vmem>>[vector<16xi32>], vector<16xf32>,
      %add3A_169 = arith.addf %gather3A_160, %gather3A_164 : vector<16xf32>
      %add3A_170 = arith.addf %add3A_169, %gather3A_168 : vector<16xf32>
      %mul3A_171 = arith.constant 16 : i32
      %mul3A_172 = arith.muli %scan3A_16, %mul3A_171 : i32
      %swap3A_173 = arith.constant 7 : i32
      %swap3A_174 = arith.index_cast %swap3A_173 : i32 to index
      %swap3A_175 = arith.index_cast %mul3A_172 : i32 to index
      %swap3A_176 = tpu.vector_load %arg14[%swap3A_174, %swap3A_175] {strides = array<i32>} : memref<10x512xf32, #tpu.memory_space<vmem>>, vector<16xf32>,
      tpu.vector_store %arg14[%swap3A_174, %swap3A_175], %add3A_170 {strides = array<i32>} : memref<10x512xf32, #tpu.memory_space<vmem>>, vector<16xf32>,
      %broadcast_in_dim3A_177 = arith.constant 8 : i32
      %broadcast_in_dim3A_178 = vector.broadcast %broadcast_in_dim3A_177 : i32 to vector<16xi32>
      %gather3A_179 = tpu.vector_load_idx %arg13[%add3A_20, %broadcast_in_dim3A_178] : memref<512x16xf32, #tpu.memory_space<vmem>>[vector<16xi32>, vector<16xi32>], vector<16xf32>,
      %add3A_180 = arith.constant 336 : i32
      %add3A_181 = vector.broadcast %add3A_180 : i32 to vector<16xi32>
      %add3A_182 = arith.addi %add3A_181, %get3A_23 : vector<16xi32>
      %gather3A_183 = tpu.vector_load_idx %arg12[%add3A_182] : memref<1024xf32, #tpu.memory_space<vmem>>[vector<16xi32>], vector<16xf32>,
      %add3A_184 = arith.constant 680 : i32
      %add3A_185 = vector.broadcast %add3A_184 : i32 to vector<16xi32>
      %add3A_186 = arith.addi %add3A_185, %get3A_27 : vector<16xi32>
      %gather3A_187 = tpu.vector_load_idx %arg12[%add3A_186] : memref<1024xf32, #tpu.memory_space<vmem>>[vector<16xi32>], vector<16xf32>,
      %add3A_188 = arith.addf %gather3A_179, %gather3A_183 : vector<16xf32>
      %add3A_189 = arith.addf %add3A_188, %gather3A_187 : vector<16xf32>
      %mul3A_190 = arith.constant 16 : i32
      %mul3A_191 = arith.muli %scan3A_16, %mul3A_190 : i32
      %swap3A_192 = arith.constant 8 : i32
      %swap3A_193 = arith.index_cast %swap3A_192 : i32 to index
      %swap3A_194 = arith.index_cast %mul3A_191 : i32 to index
      %swap3A_195 = tpu.vector_load %arg14[%swap3A_193, %swap3A_194] {strides = array<i32>} : memref<10x512xf32, #tpu.memory_space<vmem>>, vector<16xf32>,
      tpu.vector_store %arg14[%swap3A_193, %swap3A_194], %add3A_189 {strides = array<i32>} : memref<10x512xf32, #tpu.memory_space<vmem>>, vector<16xf32>,
      %broadcast_in_dim3A_196 = arith.constant 9 : i32
      %broadcast_in_dim3A_197 = vector.broadcast %broadcast_in_dim3A_196 : i32 to vector<16xi32>
      %gather3A_198 = tpu.vector_load_idx %arg13[%add3A_20, %broadcast_in_dim3A_197] : memref<512x16xf32, #tpu.memory_space<vmem>>[vector<16xi32>, vector<16xi32>], vector<16xf32>,
      %add3A_199 = arith.constant 346 : i32
      %add3A_200 = vector.broadcast %add3A_199 : i32 to vector<16xi32>
      %add3A_201 = arith.addi %add3A_200, %get3A_23 : vector<16xi32>
      %gather3A_202 = tpu.vector_load_idx %arg12[%add3A_201] : memref<1024xf32, #tpu.memory_space<vmem>>[vector<16xi32>], vector<16xf32>,
      %add3A_203 = arith.constant 701 : i32
      %add3A_204 = vector.broadcast %add3A_203 : i32 to vector<16xi32>
      %add3A_205 = arith.addi %add3A_204, %get3A_27 : vector<16xi32>
      %gather3A_206 = tpu.vector_load_idx %arg12[%add3A_205] : memref<1024xf32, #tpu.memory_space<vmem>>[vector<16xi32>], vector<16xf32>,
      %add3A_207 = arith.addf %gather3A_198, %gather3A_202 : vector<16xf32>
      %add3A_208 = arith.addf %add3A_207, %gather3A_206 : vector<16xf32>
      %mul3A_209 = arith.constant 16 : i32
      %mul3A_210 = arith.muli %scan3A_16, %mul3A_209 : i32
      %swap3A_211 = arith.constant 9 : i32
      %swap3A_212 = arith.index_cast %swap3A_211 : i32 to index
      %swap3A_213 = arith.index_cast %mul3A_210 : i32 to index
      %swap3A_214 = tpu.vector_load %arg14[%swap3A_212, %swap3A_213] {strides = array<i32>} : memref<10x512xf32, #tpu.memory_space<vmem>>, vector<16xf32>,
      tpu.vector_store %arg14[%swap3A_212, %swap3A_213], %add3A_208 {strides = array<i32>} : memref<10x512xf32, #tpu.memory_space<vmem>>, vector<16xf32>,
      %scan3A_215 = arith.constant 1 : i32
      %scan3A_216 = arith.addi %scan3A_16, %scan3A_215 : i32
      %mul3A_217 = arith.constant 16 : i32
      %mul3A_218 = arith.muli %scan3A_216, %mul3A_217 : i32
      %add3A_219 = vector.broadcast %mul3A_218 : i32 to vector<16xi32>
      %add3A_220 = arith.addi %add3A_219, %iota3A : vector<16xi32>
      %mul3A_221 = arith.constant 16 : i32
      %mul3A_222 = arith.muli %scan3A_216, %mul3A_221 : i32
      %get3A_223 = arith.index_cast %mul3A_222 : i32 to index
      %get3A_224 = tpu.vector_load %arg10[%get3A_223] {strides = array<i32>} : memref<512xi32, #tpu.memory_space<vmem>>, vector<16xi32>,
      %mul3A_225 = arith.constant 16 : i32
      %mul3A_226 = arith.muli %scan3A_216, %mul3A_225 : i32
      %get3A_227 = arith.index_cast %mul3A_226 : i32 to index
      %get3A_228 = tpu.vector_load %arg11[%get3A_227] {strides = array<i32>} : memref<512xi32, #tpu.memory_space<vmem>>, vector<16xi32>,
      %broadcast_in_dim3A_229 = arith.constant 0 : i32
      %broadcast_in_dim3A_230 = vector.broadcast %broadcast_in_dim3A_229 : i32 to vector<16xi32>
      %gather3A_231 = tpu.vector_load_idx %arg13[%add3A_220, %broadcast_in_dim3A_230] : memref<512x16xf32, #tpu.memory_space<vmem>>[vector<16xi32>, vector<16xi32>], vector<16xf32>,
      %add3A_232 = arith.constant 256 : i32
      %add3A_233 = vector.broadcast %add3A_232 : i32 to vector<16xi32>
      %add3A_234 = arith.addi %add3A_233, %get3A_224 : vector<16xi32>
      %gather3A_235 = tpu.vector_load_idx %arg12[%add3A_234] : memref<1024xf32, #tpu.memory_space<vmem>>[vector<16xi32>], vector<16xf32>,
      %add3A_236 = arith.constant 512 : i32
      %add3A_237 = vector.broadcast %add3A_236 : i32 to vector<16xi32>
      %add3A_238 = arith.addi %add3A_237, %get3A_228 : vector<16xi32>
      %gather3A_239 = tpu.vector_load_idx %arg12[%add3A_238] : memref<1024xf32, #tpu.memory_space<vmem>>[vector<16xi32>], vector<16xf32>,
      %add3A_240 = arith.addf %gather3A_231, %gather3A_235 : vector<16xf32>
      %add3A_241 = arith.addf %add3A_240, %gather3A_239 : vector<16xf32>
      %mul3A_242 = arith.constant 16 : i32
      %mul3A_243 = arith.muli %scan3A_216, %mul3A_242 : i32
      %swap3A_244 = arith.constant 0 : i32
      %swap3A_245 = arith.index_cast %swap3A_244 : i32 to index
      %swap3A_246 = arith.index_cast %mul3A_243 : i32 to index
      %swap3A_247 = tpu.vector_load %arg14[%swap3A_245, %swap3A_246] {strides = array<i32>} : memref<10x512xf32, #tpu.memory_space<vmem>>, vector<16xf32>,
      tpu.vector_store %arg14[%swap3A_245, %swap3A_246], %add3A_241 {strides = array<i32>} : memref<10x512xf32, #tpu.memory_space<vmem>>, vector<16xf32>,
      %broadcast_in_dim3A_248 = arith.constant 1 : i32
      %broadcast_in_dim3A_249 = vector.broadcast %broadcast_in_dim3A_248 : i32 to vector<16xi32>
      %gather3A_250 = tpu.vector_load_idx %arg13[%add3A_220, %broadcast_in_dim3A_249] : memref<512x16xf32, #tpu.memory_space<vmem>>[vector<16xi32>, vector<16xi32>], vector<16xf32>,
      %add3A_251 = arith.constant 266 : i32
      %add3A_252 = vector.broadcast %add3A_251 : i32 to vector<16xi32>
      %add3A_253 = arith.addi %add3A_252, %get3A_224 : vector<16xi32>
      %gather3A_254 = tpu.vector_load_idx %arg12[%add3A_253] : memref<1024xf32, #tpu.memory_space<vmem>>[vector<16xi32>], vector<16xf32>,
      %add3A_255 = arith.constant 533 : i32
      %add3A_256 = vector.broadcast %add3A_255 : i32 to vector<16xi32>
      %add3A_257 = arith.addi %add3A_256, %get3A_228 : vector<16xi32>
      %gather3A_258 = tpu.vector_load_idx %arg12[%add3A_257] : memref<1024xf32, #tpu.memory_space<vmem>>[vector<16xi32>], vector<16xf32>,
      %add3A_259 = arith.addf %gather3A_250, %gather3A_254 : vector<16xf32>
      %add3A_260 = arith.addf %add3A_259, %gather3A_258 : vector<16xf32>
      %mul3A_261 = arith.constant 16 : i32
      %mul3A_262 = arith.muli %scan3A_216, %mul3A_261 : i32
      %swap3A_263 = arith.constant 1 : i32
      %swap3A_264 = arith.index_cast %swap3A_263 : i32 to index
      %swap3A_265 = arith.index_cast %mul3A_262 : i32 to index
      %swap3A_266 = tpu.vector_load %arg14[%swap3A_264, %swap3A_265] {strides = array<i32>} : memref<10x512xf32, #tpu.memory_space<vmem>>, vector<16xf32>,
      tpu.vector_store %arg14[%swap3A_264, %swap3A_265], %add3A_260 {strides = array<i32>} : memref<10x512xf32, #tpu.memory_space<vmem>>, vector<16xf32>,
      %broadcast_in_dim3A_267 = arith.constant 2 : i32
      %broadcast_in_dim3A_268 = vector.broadcast %broadcast_in_dim3A_267 : i32 to vector<16xi32>
      %gather3A_269 = tpu.vector_load_idx %arg13[%add3A_220, %broadcast_in_dim3A_268] : memref<512x16xf32, #tpu.memory_space<vmem>>[vector<16xi32>, vector<16xi32>], vector<16xf32>,
      %add3A_270 = arith.constant 276 : i32
      %add3A_271 = vector.broadcast %add3A_270 : i32 to vector<16xi32>
      %add3A_272 = arith.addi %add3A_271, %get3A_224 : vector<16xi32>
      %gather3A_273 = tpu.vector_load_idx %arg12[%add3A_272] : memref<1024xf32, #tpu.memory_space<vmem>>[vector<16xi32>], vector<16xf32>,
      %add3A_274 = arith.constant 554 : i32
      %add3A_275 = vector.broadcast %add3A_274 : i32 to vector<16xi32>
      %add3A_276 = arith.addi %add3A_275, %get3A_228 : vector<16xi32>
      %gather3A_277 = tpu.vector_load_idx %arg12[%add3A_276] : memref<1024xf32, #tpu.memory_space<vmem>>[vector<16xi32>], vector<16xf32>,
      %add3A_278 = arith.addf %gather3A_269, %gather3A_273 : vector<16xf32>
      %add3A_279 = arith.addf %add3A_278, %gather3A_277 : vector<16xf32>
      %mul3A_280 = arith.constant 16 : i32
      %mul3A_281 = arith.muli %scan3A_216, %mul3A_280 : i32
      %swap3A_282 = arith.constant 2 : i32
      %swap3A_283 = arith.index_cast %swap3A_282 : i32 to index
      %swap3A_284 = arith.index_cast %mul3A_281 : i32 to index
      %swap3A_285 = tpu.vector_load %arg14[%swap3A_283, %swap3A_284] {strides = array<i32>} : memref<10x512xf32, #tpu.memory_space<vmem>>, vector<16xf32>,
      tpu.vector_store %arg14[%swap3A_283, %swap3A_284], %add3A_279 {strides = array<i32>} : memref<10x512xf32, #tpu.memory_space<vmem>>, vector<16xf32>,
      %broadcast_in_dim3A_286 = arith.constant 3 : i32
      %broadcast_in_dim3A_287 = vector.broadcast %broadcast_in_dim3A_286 : i32 to vector<16xi32>
      %gather3A_288 = tpu.vector_load_idx %arg13[%add3A_220, %broadcast_in_dim3A_287] : memref<512x16xf32, #tpu.memory_space<vmem>>[vector<16xi32>, vector<16xi32>], vector<16xf32>,
      %add3A_289 = arith.constant 286 : i32
      %add3A_290 = vector.broadcast %add3A_289 : i32 to vector<16xi32>
      %add3A_291 = arith.addi %add3A_290, %get3A_224 : vector<16xi32>
      %gather3A_292 = tpu.vector_load_idx %arg12[%add3A_291] : memref<1024xf32, #tpu.memory_space<vmem>>[vector<16xi32>], vector<16xf32>,
      %add3A_293 = arith.constant 575 : i32
      %add3A_294 = vector.broadcast %add3A_293 : i32 to vector<16xi32>
      %add3A_295 = arith.addi %add3A_294, %get3A_228 : vector<16xi32>
      %gather3A_296 = tpu.vector_load_idx %arg12[%add3A_295] : memref<1024xf32, #tpu.memory_space<vmem>>[vector<16xi32>], vector<16xf32>,
      %add3A_297 = arith.addf %gather3A_288, %gather3A_292 : vector<16xf32>
      %add3A_298 = arith.addf %add3A_297, %gather3A_296 : vector<16xf32>
      %mul3A_299 = arith.constant 16 : i32
      %mul3A_300 = arith.muli %scan3A_216, %mul3A_299 : i32
      %swap3A_301 = arith.constant 3 : i32
      %swap3A_302 = arith.index_cast %swap3A_301 : i32 to index
      %swap3A_303 = arith.index_cast %mul3A_300 : i32 to index
      %swap3A_304 = tpu.vector_load %arg14[%swap3A_302, %swap3A_303] {strides = array<i32>} : memref<10x512xf32, #tpu.memory_space<vmem>>, vector<16xf32>,
      tpu.vector_store %arg14[%swap3A_302, %swap3A_303], %add3A_298 {strides = array<i32>} : memref<10x512xf32, #tpu.memory_space<vmem>>, vector<16xf32>,
      %broadcast_in_dim3A_305 = arith.constant 4 : i32
      %broadcast_in_dim3A_306 = vector.broadcast %broadcast_in_dim3A_305 : i32 to vector<16xi32>
      %gather3A_307 = tpu.vector_load_idx %arg13[%add3A_220, %broadcast_in_dim3A_306] : memref<512x16xf32, #tpu.memory_space<vmem>>[vector<16xi32>, vector<16xi32>], vector<16xf32>,
      %add3A_308 = arith.constant 296 : i32
      %add3A_309 = vector.broadcast %add3A_308 : i32 to vector<16xi32>
      %add3A_310 = arith.addi %add3A_309, %get3A_224 : vector<16xi32>
      %gather3A_311 = tpu.vector_load_idx %arg12[%add3A_310] : memref<1024xf32, #tpu.memory_space<vmem>>[vector<16xi32>], vector<16xf32>,
      %add3A_312 = arith.constant 596 : i32
      %add3A_313 = vector.broadcast %add3A_312 : i32 to vector<16xi32>
      %add3A_314 = arith.addi %add3A_313, %get3A_228 : vector<16xi32>
      %gather3A_315 = tpu.vector_load_idx %arg12[%add3A_314] : memref<1024xf32, #tpu.memory_space<vmem>>[vector<16xi32>], vector<16xf32>,
      %add3A_316 = arith.addf %gather3A_307, %gather3A_311 : vector<16xf32>
      %add3A_317 = arith.addf %add3A_316, %gather3A_315 : vector<16xf32>
      %mul3A_318 = arith.constant 16 : i32
      %mul3A_319 = arith.muli %scan3A_216, %mul3A_318 : i32
      %swap3A_320 = arith.constant 4 : i32
      %swap3A_321 = arith.index_cast %swap3A_320 : i32 to index
      %swap3A_322 = arith.index_cast %mul3A_319 : i32 to index
      %swap3A_323 = tpu.vector_load %arg14[%swap3A_321, %swap3A_322] {strides = array<i32>} : memref<10x512xf32, #tpu.memory_space<vmem>>, vector<16xf32>,
      tpu.vector_store %arg14[%swap3A_321, %swap3A_322], %add3A_317 {strides = array<i32>} : memref<10x512xf32, #tpu.memory_space<vmem>>, vector<16xf32>,
      %broadcast_in_dim3A_324 = arith.constant 5 : i32
      %broadcast_in_dim3A_325 = vector.broadcast %broadcast_in_dim3A_324 : i32 to vector<16xi32>
      %gather3A_326 = tpu.vector_load_idx %arg13[%add3A_220, %broadcast_in_dim3A_325] : memref<512x16xf32, #tpu.memory_space<vmem>>[vector<16xi32>, vector<16xi32>], vector<16xf32>,
      %add3A_327 = arith.constant 306 : i32
      %add3A_328 = vector.broadcast %add3A_327 : i32 to vector<16xi32>
      %add3A_329 = arith.addi %add3A_328, %get3A_224 : vector<16xi32>
      %gather3A_330 = tpu.vector_load_idx %arg12[%add3A_329] : memref<1024xf32, #tpu.memory_space<vmem>>[vector<16xi32>], vector<16xf32>,
      %add3A_331 = arith.constant 617 : i32
      %add3A_332 = vector.broadcast %add3A_331 : i32 to vector<16xi32>
      %add3A_333 = arith.addi %add3A_332, %get3A_228 : vector<16xi32>
      %gather3A_334 = tpu.vector_load_idx %arg12[%add3A_333] : memref<1024xf32, #tpu.memory_space<vmem>>[vector<16xi32>], vector<16xf32>,
      %add3A_335 = arith.addf %gather3A_326, %gather3A_330 : vector<16xf32>
      %add3A_336 = arith.addf %add3A_335, %gather3A_334 : vector<16xf32>
      %mul3A_337 = arith.constant 16 : i32
      %mul3A_338 = arith.muli %scan3A_216, %mul3A_337 : i32
      %swap3A_339 = arith.constant 5 : i32
      %swap3A_340 = arith.index_cast %swap3A_339 : i32 to index
      %swap3A_341 = arith.index_cast %mul3A_338 : i32 to index
      %swap3A_342 = tpu.vector_load %arg14[%swap3A_340, %swap3A_341] {strides = array<i32>} : memref<10x512xf32, #tpu.memory_space<vmem>>, vector<16xf32>,
      tpu.vector_store %arg14[%swap3A_340, %swap3A_341], %add3A_336 {strides = array<i32>} : memref<10x512xf32, #tpu.memory_space<vmem>>, vector<16xf32>,
      %broadcast_in_dim3A_343 = arith.constant 6 : i32
      %broadcast_in_dim3A_344 = vector.broadcast %broadcast_in_dim3A_343 : i32 to vector<16xi32>
      %gather3A_345 = tpu.vector_load_idx %arg13[%add3A_220, %broadcast_in_dim3A_344] : memref<512x16xf32, #tpu.memory_space<vmem>>[vector<16xi32>, vector<16xi32>], vector<16xf32>,
      %add3A_346 = arith.constant 316 : i32
      %add3A_347 = vector.broadcast %add3A_346 : i32 to vector<16xi32>
      %add3A_348 = arith.addi %add3A_347, %get3A_224 : vector<16xi32>
      %gather3A_349 = tpu.vector_load_idx %arg12[%add3A_348] : memref<1024xf32, #tpu.memory_space<vmem>>[vector<16xi32>], vector<16xf32>,
      %add3A_350 = arith.constant 638 : i32
      %add3A_351 = vector.broadcast %add3A_350 : i32 to vector<16xi32>
      %add3A_352 = arith.addi %add3A_351, %get3A_228 : vector<16xi32>
      %gather3A_353 = tpu.vector_load_idx %arg12[%add3A_352] : memref<1024xf32, #tpu.memory_space<vmem>>[vector<16xi32>], vector<16xf32>,
      %add3A_354 = arith.addf %gather3A_345, %gather3A_349 : vector<16xf32>
      %add3A_355 = arith.addf %add3A_354, %gather3A_353 : vector<16xf32>
      %mul3A_356 = arith.constant 16 : i32
      %mul3A_357 = arith.muli %scan3A_216, %mul3A_356 : i32
      %swap3A_358 = arith.constant 6 : i32
      %swap3A_359 = arith.index_cast %swap3A_358 : i32 to index
      %swap3A_360 = arith.index_cast %mul3A_357 : i32 to index
      %swap3A_361 = tpu.vector_load %arg14[%swap3A_359, %swap3A_360] {strides = array<i32>} : memref<10x512xf32, #tpu.memory_space<vmem>>, vector<16xf32>,
      tpu.vector_store %arg14[%swap3A_359, %swap3A_360], %add3A_355 {strides = array<i32>} : memref<10x512xf32, #tpu.memory_space<vmem>>, vector<16xf32>,
      %broadcast_in_dim3A_362 = arith.constant 7 : i32
      %broadcast_in_dim3A_363 = vector.broadcast %broadcast_in_dim3A_362 : i32 to vector<16xi32>
      %gather3A_364 = tpu.vector_load_idx %arg13[%add3A_220, %broadcast_in_dim3A_363] : memref<512x16xf32, #tpu.memory_space<vmem>>[vector<16xi32>, vector<16xi32>], vector<16xf32>,
      %add3A_365 = arith.constant 326 : i32
      %add3A_366 = vector.broadcast %add3A_365 : i32 to vector<16xi32>
      %add3A_367 = arith.addi %add3A_366, %get3A_224 : vector<16xi32>
      %gather3A_368 = tpu.vector_load_idx %arg12[%add3A_367] : memref<1024xf32, #tpu.memory_space<vmem>>[vector<16xi32>], vector<16xf32>,
      %add3A_369 = arith.constant 659 : i32
      %add3A_370 = vector.broadcast %add3A_369 : i32 to vector<16xi32>
      %add3A_371 = arith.addi %add3A_370, %get3A_228 : vector<16xi32>
      %gather3A_372 = tpu.vector_load_idx %arg12[%add3A_371] : memref<1024xf32, #tpu.memory_space<vmem>>[vector<16xi32>], vector<16xf32>,
      %add3A_373 = arith.addf %gather3A_364, %gather3A_368 : vector<16xf32>
      %add3A_374 = arith.addf %add3A_373, %gather3A_372 : vector<16xf32>
      %mul3A_375 = arith.constant 16 : i32
      %mul3A_376 = arith.muli %scan3A_216, %mul3A_375 : i32
      %swap3A_377 = arith.constant 7 : i32
      %swap3A_378 = arith.index_cast %swap3A_377 : i32 to index
      %swap3A_379 = arith.index_cast %mul3A_376 : i32 to index
      %swap3A_380 = tpu.vector_load %arg14[%swap3A_378, %swap3A_379] {strides = array<i32>} : memref<10x512xf32, #tpu.memory_space<vmem>>, vector<16xf32>,
      tpu.vector_store %arg14[%swap3A_378, %swap3A_379], %add3A_374 {strides = array<i32>} : memref<10x512xf32, #tpu.memory_space<vmem>>, vector<16xf32>,
      %broadcast_in_dim3A_381 = arith.constant 8 : i32
      %broadcast_in_dim3A_382 = vector.broadcast %broadcast_in_dim3A_381 : i32 to vector<16xi32>
      %gather3A_383 = tpu.vector_load_idx %arg13[%add3A_220, %broadcast_in_dim3A_382] : memref<512x16xf32, #tpu.memory_space<vmem>>[vector<16xi32>, vector<16xi32>], vector<16xf32>,
      %add3A_384 = arith.constant 336 : i32
      %add3A_385 = vector.broadcast %add3A_384 : i32 to vector<16xi32>
      %add3A_386 = arith.addi %add3A_385, %get3A_224 : vector<16xi32>
      %gather3A_387 = tpu.vector_load_idx %arg12[%add3A_386] : memref<1024xf32, #tpu.memory_space<vmem>>[vector<16xi32>], vector<16xf32>,
      %add3A_388 = arith.constant 680 : i32
      %add3A_389 = vector.broadcast %add3A_388 : i32 to vector<16xi32>
      %add3A_390 = arith.addi %add3A_389, %get3A_228 : vector<16xi32>
      %gather3A_391 = tpu.vector_load_idx %arg12[%add3A_390] : memref<1024xf32, #tpu.memory_space<vmem>>[vector<16xi32>], vector<16xf32>,
      %add3A_392 = arith.addf %gather3A_383, %gather3A_387 : vector<16xf32>
      %add3A_393 = arith.addf %add3A_392, %gather3A_391 : vector<16xf32>
      %mul3A_394 = arith.constant 16 : i32
      %mul3A_395 = arith.muli %scan3A_216, %mul3A_394 : i32
      %swap3A_396 = arith.constant 8 : i32
      %swap3A_397 = arith.index_cast %swap3A_396 : i32 to index
      %swap3A_398 = arith.index_cast %mul3A_395 : i32 to index
      %swap3A_399 = tpu.vector_load %arg14[%swap3A_397, %swap3A_398] {strides = array<i32>} : memref<10x512xf32, #tpu.memory_space<vmem>>, vector<16xf32>,
      tpu.vector_store %arg14[%swap3A_397, %swap3A_398], %add3A_393 {strides = array<i32>} : memref<10x512xf32, #tpu.memory_space<vmem>>, vector<16xf32>,
      %broadcast_in_dim3A_400 = arith.constant 9 : i32
      %broadcast_in_dim3A_401 = vector.broadcast %broadcast_in_dim3A_400 : i32 to vector<16xi32>
      %gather3A_402 = tpu.vector_load_idx %arg13[%add3A_220, %broadcast_in_dim3A_401] : memref<512x16xf32, #tpu.memory_space<vmem>>[vector<16xi32>, vector<16xi32>], vector<16xf32>,
      %add3A_403 = arith.constant 346 : i32
      %add3A_404 = vector.broadcast %add3A_403 : i32 to vector<16xi32>
      %add3A_405 = arith.addi %add3A_404, %get3A_224 : vector<16xi32>
      %gather3A_406 = tpu.vector_load_idx %arg12[%add3A_405] : memref<1024xf32, #tpu.memory_space<vmem>>[vector<16xi32>], vector<16xf32>,
      %add3A_407 = arith.constant 701 : i32
      %add3A_408 = vector.broadcast %add3A_407 : i32 to vector<16xi32>
      %add3A_409 = arith.addi %add3A_408, %get3A_228 : vector<16xi32>
      %gather3A_410 = tpu.vector_load_idx %arg12[%add3A_409] : memref<1024xf32, #tpu.memory_space<vmem>>[vector<16xi32>], vector<16xf32>,
      %add3A_411 = arith.addf %gather3A_402, %gather3A_406 : vector<16xf32>
      %add3A_412 = arith.addf %add3A_411, %gather3A_410 : vector<16xf32>
      %mul3A_413 = arith.constant 16 : i32
      %mul3A_414 = arith.muli %scan3A_216, %mul3A_413 : i32
      %swap3A_415 = arith.constant 9 : i32
      %swap3A_416 = arith.index_cast %swap3A_415 : i32 to index
      %swap3A_417 = arith.index_cast %mul3A_414 : i32 to index
      %swap3A_418 = tpu.vector_load %arg14[%swap3A_416, %swap3A_417] {strides = array<i32>} : memref<10x512xf32, #tpu.memory_space<vmem>>, vector<16xf32>,
      tpu.vector_store %arg14[%swap3A_416, %swap3A_417], %add3A_412 {strides = array<i32>} : memref<10x512xf32, #tpu.memory_space<vmem>>, vector<16xf32>,
    }
    %scan3A_15 = arith.constant 32 : i32
    "tpu.region"() ({
      %run_scoped3A = tpu.sem_alloc : memref<!tpu.dma_semaphore, #tpu.memory_space<semaphore_mem>>
      %dma_start3A_16 = arith.constant 0 : i32
      %dma_start3A_17 = tpu.memref_slice %arg7[%dma_start3A_16, %mul3A_2] : memref<10x16384xf32, #tpu.memory_space<hbm>> -> memref<10x512xf32, #tpu.memory_space<hbm>>
      %dma_start3A_18 = arith.constant 0 : i32
      %dma_start3A_19 = tpu.memref_slice %arg7[%dma_start3A_18, %mul3A_2] : memref<10x16384xf32, #tpu.memory_space<hbm>> -> memref<10x512xf32, #tpu.memory_space<hbm>>
      tpu.enqueue_dma source(%arg14 : memref<10x512xf32, #tpu.memory_space<vmem>>) target(%dma_start3A_19 : memref<10x512xf32, #tpu.memory_space<hbm>>) target_semaphore(%run_scoped3A : memref<!tpu.dma_semaphore, #tpu.memory_space<semaphore_mem>>)
      %dma_wait3A_20 = arith.constant 0 : i32
      %dma_wait3A_21 = tpu.memref_slice %arg7[%dma_wait3A_20, %mul3A_2] : memref<10x16384xf32, #tpu.memory_space<hbm>> -> memref<10x512xf32, #tpu.memory_space<hbm>>
      %dma_wait3A_22 = arith.constant 0 : i32
      %dma_wait3A_23 = tpu.memref_slice %arg7[%dma_wait3A_22, %mul3A_2] : memref<10x16384xf32, #tpu.memory_space<hbm>> -> memref<10x512xf32, #tpu.memory_space<hbm>>
      tpu.wait_dma2 semaphore(%run_scoped3A : memref<!tpu.dma_semaphore, #tpu.memory_space<semaphore_mem>>) src(%arg14 : memref<10x512xf32, #tpu.memory_space<vmem>>) dst(%dma_wait3A_23 : memref<10x512xf32, #tpu.memory_space<hbm>>)
      tpu.yield
    }) : () -> ()
    return
  }
}

module attributes {stable_mosaic.version = 14 : i64} {
  func.func @_repack_body(%arg0: i32, %arg1: memref<16x32768xf32, #tpu.memory_space<vmem>>, %arg2: memref<128x128xf32, #tpu.memory_space<vmem>>, %arg3: memref<4096x128xf32, #tpu.memory_space<vmem>>) attributes {dimension_semantics = [#tpu.dimension_semantics<arbitrary>], iteration_bounds = array<i64: 4>, scalar_prefetch = 0 : i64, scratch_operands = 0 : i64, tpu.core_type = #tpu.core_type<tc>, window_params = [{transform_indices = @transform_0, window_bounds = array<i64: 16, 32768>}, {pipeline_mode = #tpu.pipeline_mode<synchronous>, transform_indices = @transform_1, window_bounds = array<i64: 128, 128>}, {transform_indices = @transform_2, window_bounds = array<i64: 4096, 128>}]} {
    %get3A = arith.constant 0 : index
    %get3A_0 = arith.constant 0 : index
    %get3A_1 = vector.load %arg1[%get3A, %get3A_0] : memref<16x32768xf32, #tpu.memory_space<vmem>>, vector<16x32768xf32>
    %reshape3A = vector.shape_cast %get3A_1 : vector<16x32768xf32> to vector<128x4096xf32>
    %transpose3A = tpu.transpose %reshape3A, [1, 0] : vector<128x4096xf32> -> vector<4096x128xf32>
    %iota3A = tpu.iota {dimensions = array<i32: 1>} : vector<4096x128xi32>
    %jit3A = arith.constant 16 : i32
    %eq3A = arith.constant 0 : i32
    %eq3A_2 = arith.cmpi eq, %jit3A, %eq3A : i32
    %jit3A_3 = arith.constant 1 : i32
    %select_n3A = arith.select %eq3A_2, %jit3A_3, %jit3A : i32
    %rem3A = vector.broadcast %select_n3A : i32 to vector<4096x128xi32>
    %rem3A_4 = arith.remsi %iota3A, %rem3A : vector<4096x128xi32>
    %ne3A = arith.constant 0 : i32
    %ne3A_5 = vector.broadcast %ne3A : i32 to vector<4096x128xi32>
    %ne3A_6 = arith.cmpi ne, %rem3A_4, %ne3A_5 : vector<4096x128xi32>
    %lt3A = arith.constant 0 : i32
    %lt3A_7 = vector.broadcast %lt3A : i32 to vector<4096x128xi32>
    %lt3A_8 = arith.cmpi slt, %rem3A_4, %lt3A_7 : vector<4096x128xi32>
    %lt3A_9 = arith.constant 0 : i32
    %lt3A_10 = arith.cmpi slt, %select_n3A, %lt3A_9 : i32
    %ne3A_11 = vector.broadcast %lt3A_10 : i1 to vector<4096x128xi1>
    %ne3A_12 = vector.broadcast %ne3A_11 : vector<4096x128xi1> to vector<4096x128xi1>
    %ne3A_13 = arith.xori %lt3A_8, %ne3A_12 : vector<4096x128xi1>
    %and3A = arith.andi %ne3A_13, %ne3A_6 : vector<4096x128xi1>
    %add3A = vector.broadcast %select_n3A : i32 to vector<4096x128xi32>
    %add3A_14 = arith.addi %rem3A_4, %add3A : vector<4096x128xi32>
    %select_n3A_15 = arith.select %and3A, %add3A_14, %rem3A_4 : vector<4096x128xi1>, vector<4096x128xi32>
    %mul3A = arith.constant 8 : i32
    %mul3A_16 = vector.broadcast %mul3A : i32 to vector<4096x128xi32>
    %mul3A_17 = arith.muli %select_n3A_15, %mul3A_16 : vector<4096x128xi32>
    %jit3A_18 = arith.constant 16 : i32
    %div3A = vector.broadcast %jit3A_18 : i32 to vector<4096x128xi32>
    %div3A_19 = arith.divsi %iota3A, %div3A : vector<4096x128xi32>
    %sign3A = arith.constant 0 : i32
    %sign3A_20 = vector.broadcast %sign3A : i32 to vector<4096x128xi32>
    %sign3A_21 = arith.cmpi sgt, %iota3A, %sign3A_20 : vector<4096x128xi32>
    %sign3A_22 = arith.extui %sign3A_21 : vector<4096x128xi1> to vector<4096x128xi32>
    %sign3A_23 = arith.constant 0 : i32
    %sign3A_24 = vector.broadcast %sign3A_23 : i32 to vector<4096x128xi32>
    %sign3A_25 = arith.cmpi slt, %iota3A, %sign3A_24 : vector<4096x128xi32>
    %sign3A_26 = arith.extui %sign3A_25 : vector<4096x128xi1> to vector<4096x128xi32>
    %sign3A_27 = arith.subi %sign3A_22, %sign3A_26 : vector<4096x128xi32>
    %sign3A_28 = arith.constant 0 : i32
    %sign3A_29 = arith.cmpi sgt, %jit3A_18, %sign3A_28 : i32
    %sign3A_30 = arith.extui %sign3A_29 : i1 to i32
    %sign3A_31 = arith.constant 0 : i32
    %sign3A_32 = arith.cmpi slt, %jit3A_18, %sign3A_31 : i32
    %sign3A_33 = arith.extui %sign3A_32 : i1 to i32
    %sign3A_34 = arith.subi %sign3A_30, %sign3A_33 : i32
    %ne3A_35 = vector.broadcast %sign3A_34 : i32 to vector<4096x128xi32>
    %ne3A_36 = arith.cmpi ne, %sign3A_27, %ne3A_35 : vector<4096x128xi32>
    %rem3A_37 = vector.broadcast %jit3A_18 : i32 to vector<4096x128xi32>
    %rem3A_38 = arith.remsi %iota3A, %rem3A_37 : vector<4096x128xi32>
    %ne3A_39 = arith.constant 0 : i32
    %ne3A_40 = vector.broadcast %ne3A_39 : i32 to vector<4096x128xi32>
    %ne3A_41 = arith.cmpi ne, %rem3A_38, %ne3A_40 : vector<4096x128xi32>
    %and3A_42 = arith.andi %ne3A_36, %ne3A_41 : vector<4096x128xi1>
    %sub3A = arith.constant 1 : i32
    %sub3A_43 = vector.broadcast %sub3A : i32 to vector<4096x128xi32>
    %sub3A_44 = arith.subi %div3A_19, %sub3A_43 : vector<4096x128xi32>
    %select_n3A_45 = arith.select %and3A_42, %sub3A_44, %div3A_19 : vector<4096x128xi1>, vector<4096x128xi32>
    %add3A_46 = arith.addi %mul3A_17, %select_n3A_45 : vector<4096x128xi32>
    %lt3A_47 = arith.constant 0 : i32
    %lt3A_48 = vector.broadcast %lt3A_47 : i32 to vector<4096x128xi32>
    %lt3A_49 = arith.cmpi slt, %add3A_46, %lt3A_48 : vector<4096x128xi32>
    %add3A_50 = arith.constant 128 : i32
    %add3A_51 = vector.broadcast %add3A_50 : i32 to vector<4096x128xi32>
    %add3A_52 = arith.addi %add3A_46, %add3A_51 : vector<4096x128xi32>
    %select_n3A_53 = arith.select %lt3A_49, %add3A_52, %add3A_46 : vector<4096x128xi1>, vector<4096x128xi32>
    %reshape3A_54 = vector.shape_cast %select_n3A_53 : vector<4096x128xi32> to vector<4096x128x1xi32>
    %gather3A = vector.shape_cast %reshape3A_54 : vector<4096x128x1xi32> to vector<4096x128xi32>
    %gather3A_55 = tpu.dynamic_gather %transpose3A[%gather3A] in [1] : vector<4096x128xf32>, vector<4096x128xi32> -> vector<4096x128xf32>
    %max3A = arith.constant 0.000000e+00 : f32
    %max3A_56 = vector.broadcast %max3A : f32 to vector<4096x128xf32>
    %max3A_57 = arith.maximumf %gather3A_55, %max3A_56 : vector<4096x128xf32>
    %get3A_58 = arith.constant 0 : index
    %get3A_59 = arith.constant 0 : index
    %get3A_60 = vector.load %arg2[%get3A_58, %get3A_59] : memref<128x128xf32, #tpu.memory_space<vmem>>, vector<128x128xf32>
    %dot_general3A = arith.constant dense<0.000000e+00> : vector<4096x128xf32>
    %dot_general3A_61 = tpu.matmul %max3A_57, %get3A_60, %dot_general3A {dimension_numbers = #tpu.dot_dimension_numbers<[1], [0], [0], [1], [0, 0, 1, 1], [], []>, transpose_lhs_hint = false} : vector<4096x128xf32>, vector<128x128xf32>, vector<4096x128xf32> -> vector<4096x128xf32>
    %swap3A = arith.constant 0 : index
    %swap3A_62 = arith.constant 0 : index
    %swap3A_63 = vector.load %arg3[%swap3A, %swap3A_62] : memref<4096x128xf32, #tpu.memory_space<vmem>>, vector<4096x128xf32>
    tpu.vector_store %arg3[%swap3A, %swap3A_62], %dot_general3A_61 {strides = array<i32>} : memref<4096x128xf32, #tpu.memory_space<vmem>>, vector<4096x128xf32>,
    return
  }
  func.func @transform_0(%arg0: i32) -> (i32, i32) {
    %c0_i32 = arith.constant 0 : i32
    %c0_i32_0 = arith.constant 0 : i32
    return %c0_i32, %arg0 : i32, i32
  }
  func.func @transform_1(%arg0: i32) -> (i32, i32) {
    %c0_i32 = arith.constant 0 : i32
    %c0_i32_0 = arith.constant 0 : i32
    %c0_i32_1 = arith.constant 0 : i32
    return %c0_i32, %c0_i32_0 : i32, i32
  }
  func.func @transform_2(%arg0: i32) -> (i32, i32) {
    %c0_i32 = arith.constant 0 : i32
    %c0_i32_0 = arith.constant 0 : i32
    return %arg0, %c0_i32 : i32, i32
  }
}

</mosaic_0001>

<sc_bundles>
// kernel: kernel.4.cloned.1.call-start
scs
__scs_entry_jumppad:
0x0: {  	(pc) =	sbr.rel $0x88, $3  }
0x1: {  	(tag) =	ssettag $0x0;
	lr =	simm.s32 $0x1  }
0x2: {  	[smem:$0x3F9B] =	sst lr;
	_ =	strace $0xD0000000  }
0x3: {  	_ = 	snop  }
0x4: {  	_ = 	snop  }
0x5: {  	_ = 	snop  }
0x6: {  	_ = 	snop  }
0x7: {  	_ = 	snop  }
__scs_overlays_trampoline_lowered:
0x8: {  	[smem:$0x3FAA] =	sst s0  }
0x9: {  	[smem:$0x3FAB] =	sst s1  }
0xa: {  	[smem:$0x3FAC] =	sst s2  }
0xb: {  	[smem:$0x3FAD] =	sst s3  }
0xc: {  	[smem:$0x3FAE] =	sst s4  }
0xd: {  	[smem:$0x3FAF] =	sst s5  }
0xe: {  	[smem:$0x3FB0] =	sst s6  }
0xf: {  	[smem:$0x3FB1] =	sst s7  }
0x10: {  	[smem:$0x3FB2] =	sst s8  }
0x11: {  	[smem:$0x3FB3] =	sst s9;
	s0 =	simm.s32 @!p0 $0x0  }
0x12: {  	s1 =	sld [smem:$0x3F99];
	s0 =	simm.s32 @p0 $0x1  }
0x13: {  	[smem:$0x3FB4] =	sst s0;
	s0 =	simm.s32 @!p1 $0x0  }
0x14: {  	s2 =	sld [smem:$0x3F98];
	s0 =	simm.s32 @p1 $0x1  }
0x15: {  	[smem:$0x3FB5] =	sst s0;
	s0 =	simm.s32 @!p2 $0x0  }
0x16: {  	s3 =	sld [smem:$0x3FDB];
	s0 =	simm.s32 @p2 $0x1  }
0x17: {  	s4 =	simm.s32 $0x1BF5;
	[smem:$0x3FB7] =	sst s0  }
0x18: {  	s0 =	sld [smem:$0x3F9A];
	_ =	swait.ge [sflag:s4], $0x0  }
0x19: {  	s7 =	sld [smem:$0x3F9B]  }
0x1a: {  	s8 =	sadd.s32 $0xFFFFE003, lr  }
0x1b: {  	s9 =	sadd.s32 $0xFFFFFEF7, lr;
	s5 =	simm.s32 $0xFFFFFFFF;
	p2 =	slt.u32 s8, $0xFFFFF086  }
0x1c: {  	p1 =	slt.u32 s9, $0xF7A;
	s5 =	simm.s32 @!p2 $0x0  }
0x1d: {  	s5 =	simm.s32 @p1 $0x1;
	p0 =	seq.s32 s7, s2  }
0x1e: {  	s7 =	smul.u32 @!p0 $0xF7A, s2;
	p2 =	seq.s32 @!p0 s5, $0x0  }
0x1f: {  	s9 =	smul.u32 $0xF7A, s1;
	s8 =	simm.s32 @!p0 $0x1BF5;
	p2 =	por !p2, p0  }
0x20: {  	[sflag:s8] =	ssyncset.s32 @!p0 $0xFFFFF086;
	s6 =	sadd.s32 @!p0 s3, s7;
	s7 =	simm.s32 @!p0 $0x108  }
0x21: {  	s3 =	sadd.s32 s3, s9;
	s6 =	sadd.s32 @!p0 $0x88, s6;
	s7 =	simm.s32 @p2 $0x1082  }
0x22: {  	[simem:s7], [sflag:s8] =	dma.local @!p0 [hbm:s6], $0xF7A  }
0x23: {  	s9 =	sor.u32 $0xD0000000, s2;
	s6 =	simm.s32 $0x108;
	_ =	swait.ge @!p0 [sflag:s8], $0x0  }
0x24: {  	s3 =	sadd.s32 $0x88, s3;
	s6 =	simm.s32 @!p1 $0x1082;
	[sflag:s4] =	ssyncset.s32 $0xFFFFF086  }
0x25: {  	[simem:s6], [sflag:s4] =	dma.local [hbm:s3], $0xF7A  }
0x26: {  	[smem:$0x3F9B] =	sst s1;
	(tag) =	ssettag s2;
	_ =	strace s9  }
0x27: {  	s1 =	sld [smem:$0x3FAB]  }
0x28: {  	s2 =	sld [smem:$0x3FAC]  }
0x29: {  	s4 =	sld [smem:$0x3FAE]  }
0x2a: {  	p0 =	seq.s32 s5, $0x0;
	s5 =	sld [smem:$0x3FAF]  }
0x2b: {  	s6 =	sld [smem:$0x3FB0]  }
0x2c: {  	s7 =	sld [smem:$0x3FB1]  }
0x2d: {  	s3 =	simm.s32 $0x108;
	s8 =	sld [smem:$0x3FB2]  }
0x2e: {  	s3 =	simm.s32 @!p0 $0x1082;
	s9 =	sld [smem:$0x3FB3]  }
0x2f: {  	lr =	sadd.s32 s0, s3;
	s0 =	sld [smem:$0x3FAA]  }
0x30: {  	s3 =	sld [smem:$0x3FAD]  }
0x31: {  	[smem:$0x3FB6] =	sst s10  }
0x32: {  	s10 =	sld [smem:$0x3FB4];
	_ =	sdelay $0x3  }
0x33: {  	p0 =	seq.s32 s10, $0x1;
	s10 =	sld [smem:$0x3FB6];
	_ =	sdelay $0x3  }
0x34: {  	[smem:$0x3FB6] =	sst s10  }
0x35: {  	s10 =	sld [smem:$0x3FB5];
	_ =	sdelay $0x3  }
0x36: {  	p1 =	seq.s32 s10, $0x1;
	s10 =	sld [smem:$0x3FB6];
	_ =	sdelay $0x3  }
0x37: {  	[smem:$0x3FB6] =	sst s10  }
0x38: {  	s10 =	sld [smem:$0x3FB7]  }
0x39: {  	_ = 	snop;
	(pc) =	sbr.ind lr, $3  }
0x3a: {  	_ = 	snop  }
0x3b: {  	_ = 	snop  }
0x3c: {  	p2 =	seq.s32 s10, $0x1;
	s10 =	sld [smem:$0x3FB6]  }
0x3d: {  	_ =	shalt  }
0x3e: {  	_ =	shalt  }
0x3f: {  	_ =	shalt  }
0x40: {  	_ =	shalt  }
0x41: {  	_ =	shalt  }
0x42: {  	_ =	shalt  }
0x43: {  	_ =	shalt  }
0x44: {  	_ =	shalt  }
0x45: {  	_ =	shalt  }
0x46: {  	_ =	shalt  }
0x47: {  	_ =	shalt  }
0x48: {  	_ =	shalt  }
0x49: {  	_ =	shalt  }
0x4a: {  	_ =	shalt  }
0x4b: {  	_ =	shalt  }
0x4c: {  	_ =	shalt  }
0x4d: {  	_ =	shalt  }
0x4e: {  	_ =	shalt  }
0x4f: {  	_ =	shalt  }
0x50: {  	_ =	shalt  }
0x51: {  	_ =	shalt  }
0x52: {  	_ =	shalt  }
0x53: {  	_ =	shalt  }
0x54: {  	_ =	shalt  }
0x55: {  	_ =	shalt  }
0x56: {  	_ =	shalt  }
0x57: {  	_ =	shalt  }
0x58: {  	_ =	shalt  }
0x59: {  	_ =	shalt  }
0x5a: {  	_ =	shalt  }
0x5b: {  	_ =	shalt  }
0x5c: {  	_ =	shalt  }
0x5d: {  	_ =	shalt  }
0x5e: {  	_ =	shalt  }
0x5f: {  	_ =	shalt  }
0x60: {  	_ =	shalt  }
0x61: {  	_ =	shalt  }
0x62: {  	_ =	shalt  }
0x63: {  	_ =	shalt  }
0x64: {  	_ =	shalt  }
0x65: {  	_ =	shalt  }
0x66: {  	_ =	shalt  }
0x67: {  	_ =	shalt  }
0x68: {  	_ =	shalt  }
0x69: {  	_ =	shalt  }
0x6a: {  	_ =	shalt  }
0x6b: {  	_ =	shalt  }
0x6c: {  	_ =	shalt  }
0x6d: {  	_ =	shalt  }
0x6e: {  	_ =	shalt  }
0x6f: {  	_ =	shalt  }
0x70: {  	_ =	shalt  }
0x71: {  	_ =	shalt  }
0x72: {  	_ =	shalt  }
0x73: {  	_ =	shalt  }
0x74: {  	_ =	shalt  }
0x75: {  	_ =	shalt  }
0x76: {  	_ =	shalt  }
0x77: {  	_ =	shalt  }
0x78: {  	_ =	shalt  }
0x79: {  	_ =	shalt  }
0x7a: {  	_ =	shalt  }
0x7b: {  	_ =	shalt  }
0x7c: {  	_ =	shalt  }
0x7d: {  	_ =	shalt  }
0x7e: {  	_ =	shalt  }
0x7f: {  	_ =	shalt  }
0x80: {  	_ =	shalt  }
0x81: {  	_ =	shalt  }
0x82: {  	_ =	shalt  }
0x83: {  	_ =	shalt  }
0x84: {  	_ =	shalt  }
0x85: {  	_ =	shalt  }
0x86: {  	_ =	shalt  }
0x87: {  	_ =	shalt  }
.Lfunc_end0:
.L_simem_size_0:
called_computation_lowered:
.L_overlay_start_0:
0x88: {  	s2 =	sld [smem:$0x3FD9]  }
0x89: {  	s3 =	sld [smem:$0x3FFE];
	_ =	sdelay $0x1  }
0x8a: {  	s1 =	srdreg.scid  }
0x8b: {  	s0 =	sand.u32 $0x1, s1  }
0x8c: {  	s17 =	sshll.u32 s0, $0xA;
	s2 =	sadd.s32 s3, s2  }
0x8d: {  	s2 =	sadd.s32 s2, s17  }
0x8e: {  	[smem:$0x3FC2] =	sst s2  }
0x8f: {  	_ = 	snop  }
0x90: {  	s2 =	sld [smem:$0x3FC9]  }
0x91: {  	s18 =	sld [smem:$0x3FC8]  }
0x92: {  	s4 =	sld [smem:$0x3FC7]  }
0x93: {  	s5 =	sld [smem:$0x3FD0];
	(tm) =	ssettm $0x1  }
0x94: {  	s6 =	sld [smem:$0x3FFB];
	_ =	sdelay $0x3  }
0x95: {  	_ =	strace s6  }
0x96: {  	s6 =	sld [smem:$0x3FFC];
	_ =	sdelay $0x3  }
0x97: {  	_ =	strace s6  }
0x98: {  	s6 =	sld [smem:$0x3FFD];
	_ =	sdelay $0x3  }
0x99: {  	_ =	strace s6  }
0x9a: {  	_ =	strace $0x8FFFFFFF  }
0x9b: {  	s19 =	sld [smem:$0x3FDB];
	_ =	sdelay $0x1  }
0x9c: {  	s7 =	simm.s32 $_scs_section_size  }
0x9d: {  	s8 =	simm.s32 $_size__tile_overlayer_lowered;
	s9 =	simm.s32 $_tile_overlayer_lowered  }
0x9e: {  	s22 =	simm.s32 $0x1BFF;
	s21 =	sshll.u32 s9, $0x1;
	s6 =	sadd.s32 s7, s19  }
0x9f: {  	s10 =	simm.s32 $0x0;
	s20 =	sshll.u32 s8, $0x1;
	s8 =	sadd.s32 s21, s6  }
0xa0: {  	[timem:s10], [sflag:s22] =	dma.local [hbm:s8], s20  }
0xa1: {  	_ =	swait.ge [sflag:s22], s20  }
0xa2: {  	s7 =	ssub.s32 $0x0, s20;
	[sflag:s22] =	ssyncset.done $0x0  }
0xa3: {  	[sflag:s22] =	ssyncadd.s32 s7;
	_ =	sdelay $0x1  }
0xa4: {  	s23 =	simm.s32 $0x1B8B  }
0xa5: {  	_ =	swait.ge [sflag:s23], $0x1  }
0xa6: {  	[sflag:s23] =	ssyncset.done $0x0  }
0xa7: {  	s25 =	simm.s32 $0x1B8E;
	s24 =	sld [smem:$0x3FFE];
	[sflag:s23] =	ssyncadd.s32 $0xFFFFFFFF  }
0xa8: {  	s26 =	simm.s32 $execute0_lowered;
	[smem:$0x3FD2] =	sst s25  }
0xa9: {  	s8 =	sshll.u32 s26, $0x1;
	_ =	strace $0x80000046;
	[dreg:$0x1] =	wrdreg $0xFFFFFFFF  }
0xaa: {  	s28 =	simm.s32 $_size_execute0_lowered;
	s6 =	sadd.s32 s6, s8;
	[dreg:$0x0] =	wrdreg $0x0  }
0xab: {  	s8 =	sshll.u32 s28, $0x1;
	[dreg:$0x2] =	wrdreg s6  }
0xac: {  	[dreg:$0x3] =	wrdreg s8  }
0xad: {  	[dreg:$0x4] =	wrdreg $0xC0  }
0xae: {  	_ =	task [dreg:s10], $0x5FFFF  }
0xaf: {  	[dreg:$0x1] =	wrdreg $0xFFFFFFFF  }
0xb0: {  	[dreg:$0x0] =	wrdreg $0x60  }
0xb1: {  	[dreg:$0x2] =	wrdreg s24  }
0xb2: {  	[dreg:$0x3] =	wrdreg s2  }
0xb3: {  	[dreg:$0x4] =	wrdreg s18  }
0xb4: {  	[dreg:$0x5] =	wrdreg s4  }
0xb5: {  	[dreg:$0x6] =	wrdreg s5  }
0xb6: {  	[dreg:$0x7] =	wrdreg $0x9  }
0xb7: {  	_ =	task.clear_ibuf [dreg:s10], $0x8FFFF;
	_ =	strace $0x90000046  }
0xb8: {  	s29 =	simm.s32 $0x9;
	_ =	strace $0x80000048  }
0xb9: {  	_ =	swait.ge [sflag:s29], $0x1  }
0xba: {  	[sflag:s29] =	ssyncadd.s32 $0xFFFFFFFF  }
0xbb: {  	_ =	strace $0x90000048  }
0xbc: {  	_ =	sfence  }
0xbd: {  	s30 =	sld [smem:$0x0];
	_ =	sdelay $0x2  }
0xbe: {  	s31 =	sshll.u32 s1, $0xD;
	s1 =	sshrl.u32 s1, $0x2  }
0xbf: {  	s3 =	sand.u32 $0x4000, s31;
	s1 =	sadd.s32 s1, s30  }
0xc0: {  	s0 =	sor.u32 s3, s0;
	s1 =	sshll.u32 s1, $0x11  }
0xc1: {  	s0 =	sor.u32 s1, s0  }
0xc2: {  	s0 =	sadd.s32 $0x8F2B, s0  }
0xc3: {  	[sflag:s0] =	ssyncadd.remote.s32 $0x1  }
0xc4: {  	_ =	sfence.sel $0xFFFF  }
0xc5: {  	[dreg:$0x0] =	wrdreg $0xFFFFFFFF;
	(pc) =	sbr.abs _section_cstart, $3  }
0xc6: {  	[dreg:$0x1] =	wrdreg $0xFFFFFFFF  }
0xc7: {  	_ =	task.clear_ibuf [dreg:s10], $0x2FFFF;
	_ =	strace $0x9FFFFFFF  }
0xc8: {  	(tm) =	ssettm $0x7FFFFFFF  }
0xc9: {  	_ =	shalt  }
tec
execute0_lowered:
.L_overlay_start_1:
0x0: {  	(tag) =	ssettag $0x1  }
0x1: {  	s5 =	rddreg [dreg:$0x0]  }
0x2: {  	s6 =	rddreg [dreg:$0x1]  }
0x3: {  	s7 =	rddreg [dreg:$0x2]  }
0x4: {  	s8 =	rddreg [dreg:$0x3]  }
0x5: {  	s1 =	rddreg [dreg:$0x4]  }
0x6: {  	s0 =	rddreg [dreg:$0x5];
	s3 =	simm.s32 $0x0;
	s4 =	srdreg.scid  }
0x7: {  	s2 =	stileid.u32;
	s13 =	simm.s32 $0x800;
	s14 =	simm.s32 $0x200  }
0x8: {  	s15 =	simm.s32 $0xC00;
	s16 =	simm.s32 $0x1;
	s17 =	simm.s32 $0x4000  }
0x9: {  	s18 =	simm.s32 $0x2C00;
	s19 =	simm.s32 $0x0;
	s4 =	sand.u32 $0x1, s4  }
0xa: {  	[smem:$0x7FF] =	sst s3;
	s9 =	sshll.u32 s2, $0x7;
	s10 =	sshll.u32 s4, $0x6  }
0xb: {  	s11 =	ssub.s32 $0x2, s4;
	_ =	strace $0x80000047;
	s9 =	sor.u32 s10, s9  }
0xc: {  	s4 =	sadd.s32 $0xA00, s5;
	s31 =	sshrl.u32 s11, $0x1;
	s12 =	sadd.s32 s9, s5  }
0xd: {  	s10 =	ssub.s32 s11, s31;
	s5 =	sadd.s32 s6, s9;
	s6 =	sadd.s32 s7, s9  }
0xe: {  	v0 =	vlaneseq.u32;
	s7 =	sadd.s32 s8, s9;
	s11 =	simm.s32 $0x400;
	s8 =	sadd.s32 $0x40A00, s12  }
0xf: {  	v0 =	vmul.u32 $0x10, v0;
	s9 =	smax.u32 s10, $0x1;
	s10 =	simm.s32 $0x2;
	s12 =	simm.s32 $0x600  }
.LBB2_1:
0x10: {  	[tilespmem:s3], [sflag:$0x2] =	stream.linear.gather [hbm4b:s5+s3], $0x200, $0x38;
	[tilespmem:$0x4000] =	vst v63  }
0x11: {  	_ =	swait.ge [sflag:s10], $0x200  }
0x12: {  	[sflag:s10] =	ssyncset.done $0x0  }
0x13: {  	[sflag:s10] =	ssyncadd.s32 $0xFFFFFE00  }
0x14: {  	[tilespmem:s11], [sflag:$0x2] =	stream.linear.gather [hbm4b:s6+s3], $0x200, $0x38;
	[tilespmem:$0x4000] =	vst v63  }
0x15: {  	_ =	swait.ge [sflag:s10], $0x200  }
0x16: {  	[sflag:s10] =	ssyncset.done $0x0  }
0x17: {  	[sflag:s10] =	ssyncadd.s32 $0xFFFFFE00  }
0x18: {  	[tilespmem:s12], [sflag:$0x2] =	stream.linear.gather [hbm4b:s7+s3], $0x200, $0x38;
	[tilespmem:$0x4000] =	vst v63  }
0x19: {  	_ =	swait.ge [sflag:s10], $0x200  }
0x1a: {  	[sflag:s10] =	ssyncset.done $0x0  }
0x1b: {  	[sflag:s10] =	ssyncadd.s32 $0xFFFFFE00  }
0x1c: {  	[tilespmem:s13], [sflag:$0x2] =	stream.linear.gather [hbm4b:s1+s3], $0x400, $0x38;
	[tilespmem:$0x4000] =	vst v63  }
0x1d: {  	_ =	swait.ge [sflag:s10], $0x400  }
0x1e: {  	[sflag:s10] =	ssyncset.done $0x0  }
0x1f: {  	s21 =	simm.s32 $0x20;
	[sflag:s10] =	ssyncadd.s32 $0xFFFFFC00  }
0x20: {  	v1 =	vld [tilespmem:s21+$0xFFFFFFE0];
	_ =	sdelay $0x4  }
0x21: {  	v2 =	vshll.u32 v1, $0x3  }
0x22: {  	v3 =	vand.u32 $0xFFFF8000, v1;
	v1 =	vshrl.u32 v1, $0xC;
	v2 =	vand.u32 $0x7FF8, v2  }
0x23: {  	v1 =	vand.u32 $0x7, v1;
	v2 =	vor.u32 v3, v2  }
0x24: {  	s20 =	simm.s32 $0x220;
	v1 =	vor.u32 v1, v2  }
0x25: {  	[tilespmem:s20+$0xFFFFFFE0] =	vst v1  }
0x26: {  	v1 =	vld [tilespmem:s21+$0xFFFFFFF0];
	_ =	sdelay $0x4  }
0x27: {  	v2 =	vshll.u32 v1, $0x3  }
0x28: {  	v3 =	vand.u32 $0xFFFF8000, v1;
	v1 =	vshrl.u32 v1, $0xC;
	v2 =	vand.u32 $0x7FF8, v2  }
0x29: {  	v1 =	vand.u32 $0x7, v1;
	v2 =	vor.u32 v3, v2  }
0x2a: {  	v1 =	vor.u32 v1, v2  }
0x2b: {  	[tilespmem:s20+$0xFFFFFFF0] =	vst v1  }
0x2c: {  	v1 =	vld [tilespmem:s21+$0x0];
	_ =	sdelay $0x4  }
0x2d: {  	v2 =	vshll.u32 v1, $0x3  }
0x2e: {  	v3 =	vand.u32 $0xFFFF8000, v1;
	v1 =	vshrl.u32 v1, $0xC;
	v2 =	vand.u32 $0x7FF8, v2  }
0x2f: {  	v1 =	vand.u32 $0x7, v1;
	v2 =	vor.u32 v3, v2  }
0x30: {  	v1 =	vor.u32 v1, v2  }
0x31: {  	[tilespmem:s20+$0x0] =	vst v1  }
0x32: {  	v1 =	vld [tilespmem:s21+$0x10];
	_ =	sdelay $0x4  }
0x33: {  	v2 =	vshll.u32 v1, $0x3  }
0x34: {  	v3 =	vand.u32 $0xFFFF8000, v1;
	v1 =	vshrl.u32 v1, $0xC;
	v2 =	vand.u32 $0x7FF8, v2  }
0x35: {  	v1 =	vand.u32 $0x7, v1;
	v2 =	vor.u32 v3, v2  }
0x36: {  	v1 =	vor.u32 v1, v2  }
0x37: {  	s22 =	simm.s32 $0x60;
	s21 =	simm.s32 $0x0;
	[tilespmem:s20+$0x10] =	vst v1  }
.LBB2_2:
0x38: {  	v1 =	vld [tilespmem:s22+$0xFFFFFFE0];
	s21 =	sadd.s32 $0x4, s21  }
0x39: {  	p0 =	slt.u32 s21, $0x1C;
	_ =	sdelay $0x3  }
0x3a: {  	v2 =	vshll.u32 v1, $0x3  }
0x3b: {  	v3 =	vand.u32 $0xFFFF8000, v1;
	v1 =	vshrl.u32 v1, $0xC;
	v2 =	vand.u32 $0x7FF8, v2  }
0x3c: {  	v1 =	vand.u32 $0x7, v1;
	v2 =	vor.u32 v3, v2  }
0x3d: {  	s20 =	sadd.s32 $0x40, s20;
	v1 =	vor.u32 v1, v2  }
0x3e: {  	[tilespmem:s20+$0xFFFFFFE0] =	vst v1  }
0x3f: {  	v1 =	vld [tilespmem:s22+$0xFFFFFFF0];
	_ =	sdelay $0x4  }
0x40: {  	v2 =	vshll.u32 v1, $0x3  }
0x41: {  	v3 =	vand.u32 $0xFFFF8000, v1;
	v1 =	vshrl.u32 v1, $0xC;
	v2 =	vand.u32 $0x7FF8, v2  }
0x42: {  	v1 =	vand.u32 $0x7, v1;
	v2 =	vor.u32 v3, v2  }
0x43: {  	v1 =	vor.u32 v1, v2  }
0x44: {  	[tilespmem:s20+$0xFFFFFFF0] =	vst v1  }
0x45: {  	v1 =	vld [tilespmem:s22+$0x0];
	_ =	sdelay $0x4  }
0x46: {  	v2 =	vshll.u32 v1, $0x3  }
0x47: {  	v3 =	vand.u32 $0xFFFF8000, v1;
	v1 =	vshrl.u32 v1, $0xC;
	v2 =	vand.u32 $0x7FF8, v2  }
0x48: {  	v1 =	vand.u32 $0x7, v1;
	v2 =	vor.u32 v3, v2  }
0x49: {  	v1 =	vor.u32 v1, v2  }
0x4a: {  	[tilespmem:s20+$0x0] =	vst v1  }
0x4b: {  	v1 =	vld [tilespmem:s22+$0x10];
	_ =	sdelay $0x4  }
.Ltmp0:
0x4c: {  	v2 =	vshll.u32 v1, $0x3;
	(pc) =	sbr.rel @p0 .LBB2_2-.Ltmp0, $4  }
0x4d: {  	v3 =	vand.u32 $0xFFFF8000, v1;
	v1 =	vshrl.u32 v1, $0xC;
	v2 =	vand.u32 $0x7FF8, v2  }
0x4e: {  	v1 =	vand.u32 $0x7, v1;
	v2 =	vor.u32 v3, v2  }
0x4f: {  	v1 =	vor.u32 v1, v2  }
0x50: {  	s22 =	sadd.s32 $0x40, s22;
	[tilespmem:s20+$0x10] =	vst v1  }
0x51: {  	[tilespmem:s15], [sflag:$0x1] =	stream.indirect.gather [hbm4b:s4+s14], $0x10, s14, s14, $0xb8;
	[tilespmem:$0x4000] =	vst v63  }
0x52: {  	s20 =	simm.s32 $0xFFFFFFFE;
	_ =	swait.ge [sflag:s16], $0x2000  }
0x53: {  	s21 =	simm.s32 $0x0;
	s22 =	simm.s32 $0x3600;
	[sflag:s16] =	ssyncset.done $0x0  }
0x54: {  	s23 =	simm.s32 $0x610;
	s24 =	simm.s32 $0x410;
	[sflag:s16] =	ssyncadd.s32 $0xFFFFE000  }
.LBB2_4:
0x55: {  	v1 =	vld [tilespmem:s24+$0xFFFFFFF0];
	_ =	sdelay $0x1  }
0x56: {  	v2 =	vmov s21;
	v3 =	vld [tilespmem:s23+$0xFFFFFFF0]  }
0x57: {  	v2 =	vshll.u32 v2, $0x4  }
0x58: {  	v2 =	vor.u32 v0, v2  }
0x59: {  	v4 =	vadd.s32 $0x100, v1;
	_ =	sdelay $0x1  }
0x5a: {  	v5 =	vadd.s32 $0x200, v3;
	_ =	sdelay $0x1  }
0x5b: {  	v6 =	vld.idx.msk [tilespmem:v2+s15+$0x0], $0xffff  }
0x5c: {  	v4 =	vld.idx.msk [tilespmem:v4+s13+$0x0], $0xffff;
	_ =	sdelay $0x1  }
0x5d: {  	v5 =	vld.idx.msk [tilespmem:v5+s13+$0x0], $0xffff;
	_ =	sdelay $0x2  }
0x5e: {  	v53 =	vor.u32 $0x1, v2;
	v4 =	vadd.f32 v4, v6  }
0x5f: {  	v7 =	vadd.s32 $0x10A, v1  }
0x60: {  	v4 =	vadd.f32 v5, v4  }
0x61: {  	v54 =	vadd.s32 $0x215, v3  }
0x62: {  	[tilespmem:s22+$0xFFFFF600] =	vst v4  }
0x63: {  	v4 =	vld.idx.msk [tilespmem:v53+s15+$0x0], $0xffff  }
0x64: {  	v55 =	vld.idx.msk [tilespmem:v7+s13+$0x0], $0xffff;
	_ =	sdelay $0x1  }
0x65: {  	v5 =	vld.idx.msk [tilespmem:v54+s13+$0x0], $0xffff;
	_ =	sdelay $0x2  }
0x66: {  	v56 =	vor.u32 $0x2, v2;
	v4 =	vadd.f32 v55, v4  }
0x67: {  	v57 =	vadd.s32 $0x114, v1  }
0x68: {  	v4 =	vadd.f32 v5, v4  }
0x69: {  	v58 =	vadd.s32 $0x22A, v3  }
0x6a: {  	[tilespmem:s22+$0xFFFFF800] =	vst v4  }
0x6b: {  	v4 =	vld.idx.msk [tilespmem:v56+s15+$0x0], $0xffff  }
0x6c: {  	v59 =	vld.idx.msk [tilespmem:v57+s13+$0x0], $0xffff;
	_ =	sdelay $0x1  }
0x6d: {  	v5 =	vld.idx.msk [tilespmem:v58+s13+$0x0], $0xffff;
	_ =	sdelay $0x2  }
0x6e: {  	v60 =	vor.u32 $0x3, v2;
	v4 =	vadd.f32 v59, v4  }
0x6f: {  	v61 =	vadd.s32 $0x11E, v1  }
0x70: {  	v4 =	vadd.f32 v5, v4  }
0x71: {  	v62 =	vadd.s32 $0x23F, v3  }
0x72: {  	[tilespmem:s22+$0xFFFFFA00] =	vst v4  }
0x73: {  	v4 =	vld.idx.msk [tilespmem:v60+s15+$0x0], $0xffff  }
0x74: {  	v63 =	vld.idx.msk [tilespmem:v61+s13+$0x0], $0xffff;
	_ =	sdelay $0x1  }
0x75: {  	v5 =	vld.idx.msk [tilespmem:v62+s13+$0x0], $0xffff;
	_ =	sdelay $0x2  }
0x76: {  	v9 =	vor.u32 $0x4, v2;
	v4 =	vadd.f32 v63, v4  }
0x77: {  	v10 =	vadd.s32 $0x128, v1  }
0x78: {  	v4 =	vadd.f32 v5, v4  }
0x79: {  	v11 =	vadd.s32 $0x254, v3  }
0x7a: {  	[tilespmem:s22+$0xFFFFFC00] =	vst v4  }
0x7b: {  	v4 =	vld.idx.msk [tilespmem:v9+s15+$0x0], $0xffff  }
0x7c: {  	v12 =	vld.idx.msk [tilespmem:v10+s13+$0x0], $0xffff;
	_ =	sdelay $0x1  }
0x7d: {  	v5 =	vld.idx.msk [tilespmem:v11+s13+$0x0], $0xffff;
	_ =	sdelay $0x2  }
0x7e: {  	v13 =	vor.u32 $0x5, v2;
	v4 =	vadd.f32 v12, v4  }
0x7f: {  	v14 =	vadd.s32 $0x132, v1  }
0x80: {  	v4 =	vadd.f32 v5, v4  }
0x81: {  	v15 =	vadd.s32 $0x269, v3  }
0x82: {  	[tilespmem:s22+$0xFFFFFE00] =	vst v4  }
0x83: {  	v4 =	vld.idx.msk [tilespmem:v13+s15+$0x0], $0xffff  }
0x84: {  	v16 =	vld.idx.msk [tilespmem:v14+s13+$0x0], $0xffff;
	_ =	sdelay $0x1  }
0x85: {  	v5 =	vld.idx.msk [tilespmem:v15+s13+$0x0], $0xffff;
	_ =	sdelay $0x2  }
0x86: {  	v17 =	vor.u32 $0x6, v2;
	v4 =	vadd.f32 v16, v4  }
0x87: {  	v18 =	vadd.s32 $0x13C, v1  }
0x88: {  	v4 =	vadd.f32 v5, v4  }
0x89: {  	v19 =	vadd.s32 $0x27E, v3  }
0x8a: {  	[tilespmem:s22+$0x0] =	vst v4  }
0x8b: {  	v4 =	vld.idx.msk [tilespmem:v17+s15+$0x0], $0xffff  }
0x8c: {  	v20 =	vld.idx.msk [tilespmem:v18+s13+$0x0], $0xffff;
	_ =	sdelay $0x1  }
0x8d: {  	v5 =	vld.idx.msk [tilespmem:v19+s13+$0x0], $0xffff;
	_ =	sdelay $0x2  }
0x8e: {  	v21 =	vor.u32 $0x7, v2;
	v4 =	vadd.f32 v20, v4  }
0x8f: {  	v22 =	vadd.s32 $0x146, v1  }
0x90: {  	v4 =	vadd.f32 v5, v4  }
0x91: {  	v23 =	vadd.s32 $0x293, v3  }
0x92: {  	[tilespmem:s22+$0x200] =	vst v4  }
0x93: {  	v4 =	vld.idx.msk [tilespmem:v21+s15+$0x0], $0xffff  }
0x94: {  	v24 =	vld.idx.msk [tilespmem:v22+s13+$0x0], $0xffff;
	_ =	sdelay $0x1  }
0x95: {  	v5 =	vld.idx.msk [tilespmem:v23+s13+$0x0], $0xffff;
	_ =	sdelay $0x2  }
0x96: {  	v25 =	vor.u32 $0x8, v2;
	v4 =	vadd.f32 v24, v4  }
0x97: {  	v26 =	vadd.s32 $0x150, v1  }
0x98: {  	v4 =	vadd.f32 v5, v4  }
0x99: {  	v27 =	vadd.s32 $0x2A8, v3  }
0x9a: {  	[tilespmem:s22+$0x400] =	vst v4  }
0x9b: {  	v4 =	vld.idx.msk [tilespmem:v25+s15+$0x0], $0xffff  }
0x9c: {  	v28 =	vld.idx.msk [tilespmem:v26+s13+$0x0], $0xffff;
	_ =	sdelay $0x1  }
0x9d: {  	v5 =	vld.idx.msk [tilespmem:v27+s13+$0x0], $0xffff;
	_ =	sdelay $0x2  }
0x9e: {  	v2 =	vor.u32 $0x9, v2;
	v4 =	vadd.f32 v28, v4  }
0x9f: {  	v1 =	vadd.s32 $0x15A, v1  }
0xa0: {  	v4 =	vadd.f32 v5, v4  }
0xa1: {  	v3 =	vadd.s32 $0x2BD, v3  }
0xa2: {  	[tilespmem:s22+$0x600] =	vst v4  }
0xa3: {  	v2 =	vld.idx.msk [tilespmem:v2+s15+$0x0], $0xffff  }
0xa4: {  	v1 =	vld.idx.msk [tilespmem:v1+s13+$0x0], $0xffff;
	_ =	sdelay $0x1  }
0xa5: {  	v3 =	vld.idx.msk [tilespmem:v3+s13+$0x0], $0xffff;
	_ =	sdelay $0x2  }
0xa6: {  	v1 =	vadd.f32 v1, v2;
	_ =	sdelay $0x1  }
0xa7: {  	v1 =	vadd.f32 v3, v1;
	_ =	sdelay $0x1  }
0xa8: {  	[tilespmem:s22+$0x800] =	vst v1  }
0xa9: {  	v1 =	vld [tilespmem:s24+$0x0]  }
0xaa: {  	s25 =	sadd.s32 $0x10, s21  }
0xab: {  	v2 =	vmov s25;
	v3 =	vld [tilespmem:s23+$0x0]  }
0xac: {  	v2 =	vshll.u32 v2, $0x4  }
0xad: {  	v2 =	vor.u32 v0, v2  }
0xae: {  	v29 =	vadd.s32 $0x100, v1;
	_ =	sdelay $0x1  }
0xaf: {  	v30 =	vadd.s32 $0x200, v3;
	_ =	sdelay $0x1  }
0xb0: {  	v31 =	vld.idx.msk [tilespmem:v2+s15+$0x0], $0xffff  }
0xb1: {  	v4 =	vld.idx.msk [tilespmem:v29+s13+$0x0], $0xffff;
	_ =	sdelay $0x1  }
0xb2: {  	v5 =	vld.idx.msk [tilespmem:v30+s13+$0x0], $0xffff;
	_ =	sdelay $0x2  }
0xb3: {  	v32 =	vor.u32 $0x1, v2;
	v4 =	vadd.f32 v4, v31  }
0xb4: {  	v33 =	vadd.s32 $0x10A, v1  }
0xb5: {  	v4 =	vadd.f32 v5, v4  }
0xb6: {  	v34 =	vadd.s32 $0x215, v3  }
0xb7: {  	[tilespmem:s22+$0xFFFFF610] =	vst v4  }
0xb8: {  	v4 =	vld.idx.msk [tilespmem:v32+s15+$0x0], $0xffff  }
0xb9: {  	v35 =	vld.idx.msk [tilespmem:v33+s13+$0x0], $0xffff;
	_ =	sdelay $0x1  }
0xba: {  	v5 =	vld.idx.msk [tilespmem:v34+s13+$0x0], $0xffff;
	_ =	sdelay $0x2  }
0xbb: {  	v36 =	vor.u32 $0x2, v2;
	v4 =	vadd.f32 v35, v4  }
0xbc: {  	v37 =	vadd.s32 $0x114, v1  }
0xbd: {  	v4 =	vadd.f32 v5, v4  }
0xbe: {  	v38 =	vadd.s32 $0x22A, v3  }
0xbf: {  	[tilespmem:s22+$0xFFFFF810] =	vst v4  }
0xc0: {  	v4 =	vld.idx.msk [tilespmem:v36+s15+$0x0], $0xffff  }
0xc1: {  	v39 =	vld.idx.msk [tilespmem:v37+s13+$0x0], $0xffff;
	_ =	sdelay $0x1  }
0xc2: {  	v5 =	vld.idx.msk [tilespmem:v38+s13+$0x0], $0xffff;
	_ =	sdelay $0x2  }
0xc3: {  	v40 =	vor.u32 $0x3, v2;
	v4 =	vadd.f32 v39, v4  }
0xc4: {  	v41 =	vadd.s32 $0x11E, v1  }
0xc5: {  	v4 =	vadd.f32 v5, v4  }
0xc6: {  	v42 =	vadd.s32 $0x23F, v3  }
0xc7: {  	[tilespmem:s22+$0xFFFFFA10] =	vst v4  }
0xc8: {  	v4 =	vld.idx.msk [tilespmem:v40+s15+$0x0], $0xffff  }
0xc9: {  	v43 =	vld.idx.msk [tilespmem:v41+s13+$0x0], $0xffff;
	_ =	sdelay $0x1  }
0xca: {  	v5 =	vld.idx.msk [tilespmem:v42+s13+$0x0], $0xffff;
	_ =	sdelay $0x2  }
0xcb: {  	v44 =	vor.u32 $0x4, v2;
	v4 =	vadd.f32 v43, v4  }
0xcc: {  	v45 =	vadd.s32 $0x128, v1  }
0xcd: {  	v4 =	vadd.f32 v5, v4  }
0xce: {  	v46 =	vadd.s32 $0x254, v3  }
0xcf: {  	[tilespmem:s22+$0xFFFFFC10] =	vst v4  }
0xd0: {  	v4 =	vld.idx.msk [tilespmem:v44+s15+$0x0], $0xffff  }
0xd1: {  	v47 =	vld.idx.msk [tilespmem:v45+s13+$0x0], $0xffff;
	_ =	sdelay $0x1  }
0xd2: {  	v5 =	vld.idx.msk [tilespmem:v46+s13+$0x0], $0xffff;
	_ =	sdelay $0x2  }
0xd3: {  	v48 =	vor.u32 $0x5, v2;
	v4 =	vadd.f32 v47, v4  }
0xd4: {  	v49 =	vadd.s32 $0x132, v1  }
0xd5: {  	v4 =	vadd.f32 v5, v4  }
0xd6: {  	v50 =	vadd.s32 $0x269, v3  }
0xd7: {  	[tilespmem:s22+$0xFFFFFE10] =	vst v4  }
0xd8: {  	v4 =	vld.idx.msk [tilespmem:v48+s15+$0x0], $0xffff  }
0xd9: {  	v51 =	vld.idx.msk [tilespmem:v49+s13+$0x0], $0xffff;
	_ =	sdelay $0x1  }
0xda: {  	v5 =	vld.idx.msk [tilespmem:v50+s13+$0x0], $0xffff;
	_ =	sdelay $0x2  }
0xdb: {  	v52 =	vor.u32 $0x6, v2;
	v4 =	vadd.f32 v51, v4  }
0xdc: {  	v53 =	vadd.s32 $0x13C, v1  }
0xdd: {  	v4 =	vadd.f32 v5, v4  }
0xde: {  	v54 =	vadd.s32 $0x27E, v3  }
0xdf: {  	[tilespmem:s22+$0x10] =	vst v4  }
0xe0: {  	v4 =	vld.idx.msk [tilespmem:v52+s15+$0x0], $0xffff  }
0xe1: {  	v55 =	vld.idx.msk [tilespmem:v53+s13+$0x0], $0xffff;
	_ =	sdelay $0x1  }
0xe2: {  	v5 =	vld.idx.msk [tilespmem:v54+s13+$0x0], $0xffff;
	_ =	sdelay $0x2  }
0xe3: {  	v56 =	vor.u32 $0x7, v2;
	v4 =	vadd.f32 v55, v4  }
0xe4: {  	v57 =	vadd.s32 $0x146, v1  }
0xe5: {  	v4 =	vadd.f32 v5, v4  }
0xe6: {  	v58 =	vadd.s32 $0x293, v3  }
0xe7: {  	[tilespmem:s22+$0x210] =	vst v4  }
0xe8: {  	v4 =	vld.idx.msk [tilespmem:v56+s15+$0x0], $0xffff  }
0xe9: {  	v59 =	vld.idx.msk [tilespmem:v57+s13+$0x0], $0xffff;
	_ =	sdelay $0x1  }
0xea: {  	v5 =	vld.idx.msk [tilespmem:v58+s13+$0x0], $0xffff;
	_ =	sdelay $0x2  }
0xeb: {  	v60 =	vor.u32 $0x8, v2;
	v4 =	vadd.f32 v59, v4  }
0xec: {  	v61 =	vadd.s32 $0x150, v1  }
0xed: {  	v4 =	vadd.f32 v5, v4  }
0xee: {  	v62 =	vadd.s32 $0x2A8, v3  }
0xef: {  	[tilespmem:s22+$0x410] =	vst v4  }
0xf0: {  	v4 =	vld.idx.msk [tilespmem:v60+s15+$0x0], $0xffff  }
0xf1: {  	v63 =	vld.idx.msk [tilespmem:v61+s13+$0x0], $0xffff;
	_ =	sdelay $0x1  }
0xf2: {  	v5 =	vld.idx.msk [tilespmem:v62+s13+$0x0], $0xffff;
	_ =	sdelay $0x2  }
0xf3: {  	v2 =	vor.u32 $0x9, v2;
	v4 =	vadd.f32 v63, v4  }
0xf4: {  	v1 =	vadd.s32 $0x15A, v1  }
0xf5: {  	v4 =	vadd.f32 v5, v4  }
0xf6: {  	v3 =	vadd.s32 $0x2BD, v3  }
0xf7: {  	[tilespmem:s22+$0x610] =	vst v4  }
0xf8: {  	v2 =	vld.idx.msk [tilespmem:v2+s15+$0x0], $0xffff  }
0xf9: {  	v1 =	vld.idx.msk [tilespmem:v1+s13+$0x0], $0xffff;
	_ =	sdelay $0x1  }
0xfa: {  	v3 =	vld.idx.msk [tilespmem:v3+s13+$0x0], $0xffff  }
0xfb: {  	s20 =	sadd.s32 $0x2, s20  }
0xfc: {  	p0 =	slt.u32 s20, $0x1E  }
.Ltmp1:
0xfd: {  	v1 =	vadd.f32 v1, v2;
	(pc) =	sbr.rel @p0 .LBB2_4-.Ltmp1, $4  }
0xfe: {  	_ = 	snop  }
0xff: {  	v1 =	vadd.f32 v3, v1  }
0x100: {  	s21 =	sadd.s32 $0x20, s21  }
0x101: {  	s23 =	sadd.s32 $0x20, s23;
	s24 =	sadd.s32 $0x20, s24;
	[tilespmem:s22+$0x810] =	vst v1;
	s22 =	sadd.s32 $0x20, s22  }
0x102: {  	s19 =	sadd.s32 $0x1, s19  }
0x103: {  	p0 =	sne.s32 s19, s9  }
.Ltmp2:
0x104: {  	_ = 	snop;
	(pc) =	sbr.rel @p0 .LBB2_1-.Ltmp2, $4  }
0x105: {  	[hbm4b:s8+s14] =	stream.strided.scatter [tilespmem:s18], [sflag:$0x2], $0x1400, s17, s14, $0x38;
	[tilespmem:$0x4000] =	vst v63  }
0x106: {  	_ =	swait.ge [sflag:s10], $0x1400  }
0x107: {  	[sflag:s10] =	ssyncset.done $0x0  }
0x108: {  	[sflag:s10] =	ssyncadd.s32 $0xFFFFEC00  }
0x109: {  	_ =	sfence.sel $0x180000  }
0x10a: {  	[bflag:$0x0] =	sbarrier.arrive $0xFFFF  }
0x10b: {  	p0 =	sne.s32 s2, $0x0;
	_ =	strace $0x90000047  }
0x10c: {  	s0 =	sadd.s32 @!p0 $0x100000, s0;
	[bflag:$0x2] =	sbarrier.arrive $0xFFFF  }
0x10d: {  	[sflag:s0] =	ssyncadd.tile.s32 @!p0 $0x1;
	_ =	shalt  }
.Lfunc_end2:
_tile_overlayer_lowered:
.L_overlay_start_2:
0x10e: {  	(tag) =	ssettag $0x2  }
0x10f: {  	s0 =	rddreg [dreg:$0x0];
	s2 =	stileid.u32  }
0x110: {  	s1 =	rddreg [dreg:$0x1];
	p0 =	sne.s32 s2, $0x0  }
0x111: {  	s3 =	rddreg [dreg:$0x2];
	[bflag:$0x3] =	sbarrier.arrive $0xFFFF;
	s2 =	simm.s32 @!p0 $0x1C02  }
0x112: {  	[timem:s3], [sflag:s2] =	dma.local @!p0 [hbm:s0], s1  }
0x113: {  	s0 =	simm.s32 @!p0 $0x2  }
0x114: {  	_ =	swait.ge @!p0 [sflag:s0], s1  }
0x115: {  	s1 =	ssub.s32 @!p0 $0x0, s1;
	[sflag:s0] =	ssyncset.done @!p0 $0x0  }
0x116: {  	[sflag:s0] =	ssyncadd.s32 @!p0 s1  }
0x117: {  	[bflag:$0x3] =	sbarrier.arrive $0xFFFF  }
0x118: {  	_ =	shalt  }

</sc_bundles>
